<compile_context>
chip_gen: v7x
topology: tpu7x:2x2x1
jax: 0.10.2.dev20260603
libtpu: 0.0.44.dev20260713+nightly
codegen_flags: <defaults>
</compile_context>

<pallas_src>
import functools

import jax
import jax.numpy as jnp
from jax import lax
from jax.experimental import pallas as pl
from jax.experimental.pallas import tpu as pltpu
from jax.experimental.pallas import tpu_sc as plsc

B, S, D = 4, 8192, 1024
NC, NS = 2, 16
NW = NC * NS
RW = S // NW
R = 16
T = RW // R
NVEC = D // 16


def _sc_body(in_hbm, emb_hbm, out_hbm, emb_buf, io_buf, sem_in, sem_out,
             sem_emb):
    wid = lax.axis_index("s") * NC + lax.axis_index("c")
    base = wid * RW

    def in_copy(t, b):
        r0 = base + t * R
        return pltpu.make_async_copy(
            in_hbm.at[b, pl.ds(r0, R)], io_buf.at[b], sem_in.at[b])

    def out_copy(t, b):
        r0 = base + t * R
        return pltpu.make_async_copy(
            io_buf.at[b], out_hbm.at[b, pl.ds(r0, R)], sem_out.at[b])

    def emb_copy(t, dt):
        r0 = base + t * R
        return pltpu.make_async_copy(
            emb_hbm.at[pl.ds(r0, R)], emb_buf.at[dt], sem_emb.at[dt])

    in_copy(0, 0).start()
    in_copy(0, 1).start()
    emb_copy(0, 0).start()

    def tile_pair(tt, _):
        for dt in range(2):
            t = tt * 2 + dt
            for b in range(4):
                if b >= 2:
                    out_copy(t, b - 2).wait()

                    @pl.when(t < T - 1)
                    def _():
                        in_copy(t + 1, b - 2).start()
                else:
                    @pl.when(t >= 1)
                    def _():
                        out_copy(t - 1, b + 2).wait()

                    in_copy(t, b + 2).start()

                if b == 0:
                    emb_copy(t, dt).wait()

                    @pl.when(t < T - 1)
                    def _():
                        emb_copy(t + 1, 1 - dt).start()

                in_copy(t, b).wait()


                out_copy(t, b).start()
        return 0

    lax.fori_loop(0, T // 2, tile_pair, 0)
    out_copy(T - 1, 2).wait()
    out_copy(T - 1, 3).wait()


def kernel(inputs, embeddings):
    mesh = plsc.VectorSubcoreMesh(core_axis_name="c", subcore_axis_name="s")
    k = functools.partial(
        pl.kernel,
        out_type=jax.ShapeDtypeStruct((B, S, D), jnp.float32),
        mesh=mesh,
        scratch_types=[
            pltpu.VMEM((2, R, D), jnp.float32),
            pltpu.VMEM((4, R, D), jnp.float32),
            pltpu.SemaphoreType.DMA((4,)),
            pltpu.SemaphoreType.DMA((4,)),
            pltpu.SemaphoreType.DMA((2,)),
        ],
    )(_sc_body)
    return k(inputs, embeddings)

# --- scband reference (transcript-rebuilt; emitter-appended) ---
"""Pipeline reference for scband-position-embedding-32478542693170 (READ-ONLY COPY).

The authoritative reference and input builder live on the scoring server;
editing this copy changes nothing except your own understanding.
"""

import jax, jax.numpy as jnp
import numpy as np

INPUT_DIM = 8192
OUTPUT_DIM = 1024
BATCH = 4
SEQ_LEN = 8192


def setup_inputs(seed: int = 0) -> dict:
    key = jax.random.key(seed)
    k1, k2 = jax.random.split(key)
    inputs = jax.random.normal(k1, (BATCH, SEQ_LEN, OUTPUT_DIM), dtype=jnp.float32)
    # learned position embedding table (initializer is 'zeros' in the original,
    # but use small random values so the op is numerically non-trivial)
    embeddings = jax.random.normal(k2, (INPUT_DIM, OUTPUT_DIM), dtype=jnp.float32) * 0.02
    return {"inputs": inputs, "embeddings": embeddings}


def reference(inputs, embeddings):
    # merge_mode='add', hierarchical=None, custom_position_ids=False:
    # position_ids = arange(seq_len); embeddings = table[None, :seq_len]
    seq_len = inputs.shape[1]
    pos_emb = embeddings[None, :seq_len]
    return inputs + pos_emb

if __name__ == "__main__":
    import jax
    _d = setup_inputs()
    print(jax.jit(kernel)(*tuple(_d.values())))

</pallas_src>

<mosaic_0001>
#map = affine_map<(d0, d1) -> (0, 0, 0)>
#map1 = affine_map<(d0, d1) -> (0, 0)>
module attributes {stable_mosaic.version = 14 : i64} {
  func.func @_sc_body(%arg0: i32, %arg1: i32, %arg2: memref<4x8192x1024xf32, #tpu.memory_space<hbm>>, %arg3: memref<8192x1024xf32, #tpu.memory_space<hbm>>, %arg4: memref<4x8192x1024xf32, #tpu.memory_space<hbm>>, %arg5: memref<2x16x1024xf32, #tpu.memory_space<vmem>>, %arg6: memref<4x16x1024xf32, #tpu.memory_space<vmem>>, %arg7: memref<4x!tpu.dma_semaphore, #tpu.memory_space<semaphore_mem>>, %arg8: memref<4x!tpu.dma_semaphore, #tpu.memory_space<semaphore_mem>>, %arg9: memref<2x!tpu.dma_semaphore, #tpu.memory_space<semaphore_mem>>) attributes {dimension_semantics = [#tpu.dimension_semantics<core_parallel>, #tpu.dimension_semantics<subcore_parallel>], iteration_bounds = array<i64: 2, 16>, scalar_prefetch = 0 : i64, scratch_operands = 5 : i64, tpu.core_type = #tpu.core_type<sc_vector_subcore>, window_params = [{transform_indices = #map}, {transform_indices = #map1}, {transform_indices = #map}]} {
    %mul3A = arith.constant 2 : i32
    %mul3A_0 = arith.muli %arg1, %mul3A : i32
    %add3A = arith.addi %mul3A_0, %arg0 : i32
    %mul3A_1 = arith.constant 256 : i32
    %mul3A_2 = arith.muli %add3A, %mul3A_1 : i32
    %add3A_3 = arith.constant 0 : i32
    %add3A_4 = arith.addi %mul3A_2, %add3A_3 : i32
    %dma_start3A = arith.constant 0 : i32
    %dma_start3A_5 = arith.constant 0 : i32
    %dma_start3A_6 = arith.constant 0 : i32
    %dma_start3A_7 = arith.constant 0 : i32
    %dma_start3A_8 = arith.constant 0 : i32
    %dma_start3A_9 = tpu.memref_slice %arg6[%dma_start3A_5, %dma_start3A_7, %dma_start3A_8] : memref<4x16x1024xf32, #tpu.memory_space<vmem>> -> memref<1x16x1024xf32, #tpu.memory_space<vmem>>
    %dma_start3A_10 = tpu.memref_squeeze %dma_start3A_9 : memref<1x16x1024xf32, #tpu.memory_space<vmem>> -> memref<16x1024xf32, #tpu.memory_space<vmem>>
    %dma_start3A_11 = arith.constant 0 : i32
    %dma_start3A_12 = tpu.memref_slice %arg2[%dma_start3A, %add3A_4, %dma_start3A_11] : memref<4x8192x1024xf32, #tpu.memory_space<hbm>> -> memref<1x16x1024xf32, #tpu.memory_space<hbm>>
    %dma_start3A_13 = tpu.memref_squeeze %dma_start3A_12 : memref<1x16x1024xf32, #tpu.memory_space<hbm>> -> memref<16x1024xf32, #tpu.memory_space<hbm>>
    %dma_start3A_14 = tpu.memref_slice %arg7[%dma_start3A_6] : memref<4x!tpu.dma_semaphore, #tpu.memory_space<semaphore_mem>> -> memref<1x!tpu.dma_semaphore, #tpu.memory_space<semaphore_mem>>
    %dma_start3A_15 = tpu.memref_squeeze %dma_start3A_14 : memref<1x!tpu.dma_semaphore, #tpu.memory_space<semaphore_mem>> -> memref<!tpu.dma_semaphore, #tpu.memory_space<semaphore_mem>>
    %dma_start3A_16 = arith.constant 0 : i32
    %dma_start3A_17 = arith.constant 0 : i32
    %dma_start3A_18 = tpu.memref_slice %arg6[%dma_start3A_5, %dma_start3A_16, %dma_start3A_17] : memref<4x16x1024xf32, #tpu.memory_space<vmem>> -> memref<1x16x1024xf32, #tpu.memory_space<vmem>>
    %dma_start3A_19 = tpu.memref_squeeze %dma_start3A_18 : memref<1x16x1024xf32, #tpu.memory_space<vmem>> -> memref<16x1024xf32, #tpu.memory_space<vmem>>
    %dma_start3A_20 = arith.constant 0 : i32
    %dma_start3A_21 = tpu.memref_slice %arg2[%dma_start3A, %add3A_4, %dma_start3A_20] : memref<4x8192x1024xf32, #tpu.memory_space<hbm>> -> memref<1x16x1024xf32, #tpu.memory_space<hbm>>
    %dma_start3A_22 = tpu.memref_squeeze %dma_start3A_21 : memref<1x16x1024xf32, #tpu.memory_space<hbm>> -> memref<16x1024xf32, #tpu.memory_space<hbm>>
    tpu.enqueue_dma source(%dma_start3A_22 : memref<16x1024xf32, #tpu.memory_space<hbm>>) target(%dma_start3A_19 : memref<16x1024xf32, #tpu.memory_space<vmem>>) target_semaphore(%dma_start3A_15 : memref<!tpu.dma_semaphore, #tpu.memory_space<semaphore_mem>>)
    %add3A_23 = arith.constant 0 : i32
    %add3A_24 = arith.addi %mul3A_2, %add3A_23 : i32
    %dma_start3A_25 = arith.constant 1 : i32
    %dma_start3A_26 = arith.constant 1 : i32
    %dma_start3A_27 = arith.constant 1 : i32
    %dma_start3A_28 = arith.constant 0 : i32
    %dma_start3A_29 = arith.constant 0 : i32
    %dma_start3A_30 = tpu.memref_slice %arg6[%dma_start3A_26, %dma_start3A_28, %dma_start3A_29] : memref<4x16x1024xf32, #tpu.memory_space<vmem>> -> memref<1x16x1024xf32, #tpu.memory_space<vmem>>
    %dma_start3A_31 = tpu.memref_squeeze %dma_start3A_30 : memref<1x16x1024xf32, #tpu.memory_space<vmem>> -> memref<16x1024xf32, #tpu.memory_space<vmem>>
    %dma_start3A_32 = arith.constant 0 : i32
    %dma_start3A_33 = tpu.memref_slice %arg2[%dma_start3A_25, %add3A_24, %dma_start3A_32] : memref<4x8192x1024xf32, #tpu.memory_space<hbm>> -> memref<1x16x1024xf32, #tpu.memory_space<hbm>>
    %dma_start3A_34 = tpu.memref_squeeze %dma_start3A_33 : memref<1x16x1024xf32, #tpu.memory_space<hbm>> -> memref<16x1024xf32, #tpu.memory_space<hbm>>
    %dma_start3A_35 = tpu.memref_slice %arg7[%dma_start3A_27] : memref<4x!tpu.dma_semaphore, #tpu.memory_space<semaphore_mem>> -> memref<1x!tpu.dma_semaphore, #tpu.memory_space<semaphore_mem>>
    %dma_start3A_36 = tpu.memref_squeeze %dma_start3A_35 : memref<1x!tpu.dma_semaphore, #tpu.memory_space<semaphore_mem>> -> memref<!tpu.dma_semaphore, #tpu.memory_space<semaphore_mem>>
    %dma_start3A_37 = arith.constant 0 : i32
    %dma_start3A_38 = arith.constant 0 : i32
    %dma_start3A_39 = tpu.memref_slice %arg6[%dma_start3A_26, %dma_start3A_37, %dma_start3A_38] : memref<4x16x1024xf32, #tpu.memory_space<vmem>> -> memref<1x16x1024xf32, #tpu.memory_space<vmem>>
    %dma_start3A_40 = tpu.memref_squeeze %dma_start3A_39 : memref<1x16x1024xf32, #tpu.memory_space<vmem>> -> memref<16x1024xf32, #tpu.memory_space<vmem>>
    %dma_start3A_41 = arith.constant 0 : i32
    %dma_start3A_42 = tpu.memref_slice %arg2[%dma_start3A_25, %add3A_24, %dma_start3A_41] : memref<4x8192x1024xf32, #tpu.memory_space<hbm>> -> memref<1x16x1024xf32, #tpu.memory_space<hbm>>
    %dma_start3A_43 = tpu.memref_squeeze %dma_start3A_42 : memref<1x16x1024xf32, #tpu.memory_space<hbm>> -> memref<16x1024xf32, #tpu.memory_space<hbm>>
    tpu.enqueue_dma source(%dma_start3A_43 : memref<16x1024xf32, #tpu.memory_space<hbm>>) target(%dma_start3A_40 : memref<16x1024xf32, #tpu.memory_space<vmem>>) target_semaphore(%dma_start3A_36 : memref<!tpu.dma_semaphore, #tpu.memory_space<semaphore_mem>>)
    %add3A_44 = arith.constant 0 : i32
    %add3A_45 = arith.addi %mul3A_2, %add3A_44 : i32
    %dma_start3A_46 = arith.constant 0 : i32
    %dma_start3A_47 = arith.constant 0 : i32
    %dma_start3A_48 = arith.constant 0 : i32
    %dma_start3A_49 = arith.constant 0 : i32
    %dma_start3A_50 = tpu.memref_slice %arg5[%dma_start3A_46, %dma_start3A_48, %dma_start3A_49] : memref<2x16x1024xf32, #tpu.memory_space<vmem>> -> memref<1x16x1024xf32, #tpu.memory_space<vmem>>
    %dma_start3A_51 = tpu.memref_squeeze %dma_start3A_50 : memref<1x16x1024xf32, #tpu.memory_space<vmem>> -> memref<16x1024xf32, #tpu.memory_space<vmem>>
    %dma_start3A_52 = arith.constant 0 : i32
    %dma_start3A_53 = tpu.memref_slice %arg3[%add3A_45, %dma_start3A_52] : memref<8192x1024xf32, #tpu.memory_space<hbm>> -> memref<16x1024xf32, #tpu.memory_space<hbm>>
    %dma_start3A_54 = tpu.memref_slice %arg9[%dma_start3A_47] : memref<2x!tpu.dma_semaphore, #tpu.memory_space<semaphore_mem>> -> memref<1x!tpu.dma_semaphore, #tpu.memory_space<semaphore_mem>>
    %dma_start3A_55 = tpu.memref_squeeze %dma_start3A_54 : memref<1x!tpu.dma_semaphore, #tpu.memory_space<semaphore_mem>> -> memref<!tpu.dma_semaphore, #tpu.memory_space<semaphore_mem>>
    %dma_start3A_56 = arith.constant 0 : i32
    %dma_start3A_57 = arith.constant 0 : i32
    %dma_start3A_58 = tpu.memref_slice %arg5[%dma_start3A_46, %dma_start3A_56, %dma_start3A_57] : memref<2x16x1024xf32, #tpu.memory_space<vmem>> -> memref<1x16x1024xf32, #tpu.memory_space<vmem>>
    %dma_start3A_59 = tpu.memref_squeeze %dma_start3A_58 : memref<1x16x1024xf32, #tpu.memory_space<vmem>> -> memref<16x1024xf32, #tpu.memory_space<vmem>>
    %dma_start3A_60 = arith.constant 0 : i32
    %dma_start3A_61 = tpu.memref_slice %arg3[%add3A_45, %dma_start3A_60] : memref<8192x1024xf32, #tpu.memory_space<hbm>> -> memref<16x1024xf32, #tpu.memory_space<hbm>>
    tpu.enqueue_dma source(%dma_start3A_61 : memref<16x1024xf32, #tpu.memory_space<hbm>>) target(%dma_start3A_59 : memref<16x1024xf32, #tpu.memory_space<vmem>>) target_semaphore(%dma_start3A_55 : memref<!tpu.dma_semaphore, #tpu.memory_space<semaphore_mem>>)
    %scan3A = arith.constant 0 : i32
    %scan3A_62 = arith.constant 0 : i32
    %scan3A_63 = arith.constant 8 : i32
    %scan3A_64 = arith.addi %scan3A_62, %scan3A_63 : i32
    %scan3A_65 = arith.constant 1 : i32
    %scan3A_66 = scf.for %scan3A_109 = %scan3A_62 to %scan3A_64 step %scan3A_65 iter_args(%scan3A_110 = %scan3A) -> (i32)  : i32 {
      %mul3A_111 = arith.constant 2 : i32
      %mul3A_112 = arith.muli %scan3A_109, %mul3A_111 : i32
      %add3A_113 = arith.constant 0 : i32
      %add3A_114 = arith.addi %mul3A_112, %add3A_113 : i32
      %ge3A = arith.constant 1 : i32
      %ge3A_115 = arith.cmpi sge, %add3A_114, %ge3A : i32
      %convert_element_type3A = arith.extui %ge3A_115 : i1 to i32
      %cond3A = arith.constant 0 : i32
      %cond3A_116 = arith.cmpi ne, %convert_element_type3A, %cond3A : i32
      scf.if %cond3A_116 {
        %sub3A = arith.constant 1 : i32
        %sub3A_732 = arith.subi %add3A_114, %sub3A : i32
        %mul3A_733 = arith.constant 16 : i32
        %mul3A_734 = arith.muli %sub3A_732, %mul3A_733 : i32
        %add3A_735 = arith.addi %mul3A_2, %mul3A_734 : i32
        %dma_wait3A_736 = arith.constant 2 : i32
        %dma_wait3A_737 = arith.constant 2 : i32
        %dma_wait3A_738 = arith.constant 2 : i32
        %dma_wait3A_739 = arith.constant 0 : i32
        %dma_wait3A_740 = arith.constant 0 : i32
        %dma_wait3A_741 = tpu.memref_slice %arg6[%dma_wait3A_736, %dma_wait3A_739, %dma_wait3A_740] : memref<4x16x1024xf32, #tpu.memory_space<vmem>> -> memref<1x16x1024xf32, #tpu.memory_space<vmem>>
        %dma_wait3A_742 = tpu.memref_squeeze %dma_wait3A_741 : memref<1x16x1024xf32, #tpu.memory_space<vmem>> -> memref<16x1024xf32, #tpu.memory_space<vmem>>
        %dma_wait3A_743 = arith.constant 0 : i32
        %dma_wait3A_744 = tpu.memref_slice %arg4[%dma_wait3A_737, %add3A_735, %dma_wait3A_743] : memref<4x8192x1024xf32, #tpu.memory_space<hbm>> -> memref<1x16x1024xf32, #tpu.memory_space<hbm>>
        %dma_wait3A_745 = tpu.memref_squeeze %dma_wait3A_744 : memref<1x16x1024xf32, #tpu.memory_space<hbm>> -> memref<16x1024xf32, #tpu.memory_space<hbm>>
        %dma_wait3A_746 = tpu.memref_slice %arg8[%dma_wait3A_738] : memref<4x!tpu.dma_semaphore, #tpu.memory_space<semaphore_mem>> -> memref<1x!tpu.dma_semaphore, #tpu.memory_space<semaphore_mem>>
        %dma_wait3A_747 = tpu.memref_squeeze %dma_wait3A_746 : memref<1x!tpu.dma_semaphore, #tpu.memory_space<semaphore_mem>> -> memref<!tpu.dma_semaphore, #tpu.memory_space<semaphore_mem>>
        %dma_wait3A_748 = arith.constant 0 : i32
        %dma_wait3A_749 = tpu.memref_slice %arg4[%dma_wait3A_737, %add3A_735, %dma_wait3A_748] : memref<4x8192x1024xf32, #tpu.memory_space<hbm>> -> memref<1x16x1024xf32, #tpu.memory_space<hbm>>
        %dma_wait3A_750 = tpu.memref_squeeze %dma_wait3A_749 : memref<1x16x1024xf32, #tpu.memory_space<hbm>> -> memref<16x1024xf32, #tpu.memory_space<hbm>>
        %dma_wait3A_751 = arith.constant 0 : i32
        %dma_wait3A_752 = arith.constant 0 : i32
        %dma_wait3A_753 = tpu.memref_slice %arg6[%dma_wait3A_736, %dma_wait3A_751, %dma_wait3A_752] : memref<4x16x1024xf32, #tpu.memory_space<vmem>> -> memref<1x16x1024xf32, #tpu.memory_space<vmem>>
        %dma_wait3A_754 = tpu.memref_squeeze %dma_wait3A_753 : memref<1x16x1024xf32, #tpu.memory_space<vmem>> -> memref<16x1024xf32, #tpu.memory_space<vmem>>
        tpu.wait_dma2 semaphore(%dma_wait3A_747 : memref<!tpu.dma_semaphore, #tpu.memory_space<semaphore_mem>>) src(%dma_wait3A_754 : memref<16x1024xf32, #tpu.memory_space<vmem>>) dst(%dma_wait3A_750 : memref<16x1024xf32, #tpu.memory_space<hbm>>)
      } else {
      }
      %mul3A_117 = arith.constant 16 : i32
      %mul3A_118 = arith.muli %add3A_114, %mul3A_117 : i32
      %add3A_119 = arith.addi %mul3A_2, %mul3A_118 : i32
      %dma_start3A_120 = arith.constant 2 : i32
      %dma_start3A_121 = arith.constant 2 : i32
      %dma_start3A_122 = arith.constant 2 : i32
      %dma_start3A_123 = arith.constant 0 : i32
      %dma_start3A_124 = arith.constant 0 : i32
      %dma_start3A_125 = tpu.memref_slice %arg6[%dma_start3A_121, %dma_start3A_123, %dma_start3A_124] : memref<4x16x1024xf32, #tpu.memory_space<vmem>> -> memref<1x16x1024xf32, #tpu.memory_space<vmem>>
      %dma_start3A_126 = tpu.memref_squeeze %dma_start3A_125 : memref<1x16x1024xf32, #tpu.memory_space<vmem>> -> memref<16x1024xf32, #tpu.memory_space<vmem>>
      %dma_start3A_127 = arith.constant 0 : i32
      %dma_start3A_128 = tpu.memref_slice %arg2[%dma_start3A_120, %add3A_119, %dma_start3A_127] : memref<4x8192x1024xf32, #tpu.memory_space<hbm>> -> memref<1x16x1024xf32, #tpu.memory_space<hbm>>
      %dma_start3A_129 = tpu.memref_squeeze %dma_start3A_128 : memref<1x16x1024xf32, #tpu.memory_space<hbm>> -> memref<16x1024xf32, #tpu.memory_space<hbm>>
      %dma_start3A_130 = tpu.memref_slice %arg7[%dma_start3A_122] : memref<4x!tpu.dma_semaphore, #tpu.memory_space<semaphore_mem>> -> memref<1x!tpu.dma_semaphore, #tpu.memory_space<semaphore_mem>>
      %dma_start3A_131 = tpu.memref_squeeze %dma_start3A_130 : memref<1x!tpu.dma_semaphore, #tpu.memory_space<semaphore_mem>> -> memref<!tpu.dma_semaphore, #tpu.memory_space<semaphore_mem>>
      %dma_start3A_132 = arith.constant 0 : i32
      %dma_start3A_133 = arith.constant 0 : i32
      %dma_start3A_134 = tpu.memref_slice %arg6[%dma_start3A_121, %dma_start3A_132, %dma_start3A_133] : memref<4x16x1024xf32, #tpu.memory_space<vmem>> -> memref<1x16x1024xf32, #tpu.memory_space<vmem>>
      %dma_start3A_135 = tpu.memref_squeeze %dma_start3A_134 : memref<1x16x1024xf32, #tpu.memory_space<vmem>> -> memref<16x1024xf32, #tpu.memory_space<vmem>>
      %dma_start3A_136 = arith.constant 0 : i32
      %dma_start3A_137 = tpu.memref_slice %arg2[%dma_start3A_120, %add3A_119, %dma_start3A_136] : memref<4x8192x1024xf32, #tpu.memory_space<hbm>> -> memref<1x16x1024xf32, #tpu.memory_space<hbm>>
      %dma_start3A_138 = tpu.memref_squeeze %dma_start3A_137 : memref<1x16x1024xf32, #tpu.memory_space<hbm>> -> memref<16x1024xf32, #tpu.memory_space<hbm>>
      tpu.enqueue_dma source(%dma_start3A_138 : memref<16x1024xf32, #tpu.memory_space<hbm>>) target(%dma_start3A_135 : memref<16x1024xf32, #tpu.memory_space<vmem>>) target_semaphore(%dma_start3A_131 : memref<!tpu.dma_semaphore, #tpu.memory_space<semaphore_mem>>)
      %mul3A_139 = arith.constant 16 : i32
      %mul3A_140 = arith.muli %add3A_114, %mul3A_139 : i32
      %add3A_141 = arith.addi %mul3A_2, %mul3A_140 : i32
      %dma_wait3A_142 = arith.constant 0 : i32
      %dma_wait3A_143 = arith.constant 0 : i32
      %dma_wait3A_144 = arith.constant 0 : i32
      %dma_wait3A_145 = arith.constant 0 : i32
      %dma_wait3A_146 = tpu.memref_slice %arg5[%dma_wait3A_142, %dma_wait3A_144, %dma_wait3A_145] : memref<2x16x1024xf32, #tpu.memory_space<vmem>> -> memref<1x16x1024xf32, #tpu.memory_space<vmem>>
      %dma_wait3A_147 = tpu.memref_squeeze %dma_wait3A_146 : memref<1x16x1024xf32, #tpu.memory_space<vmem>> -> memref<16x1024xf32, #tpu.memory_space<vmem>>
      %dma_wait3A_148 = arith.constant 0 : i32
      %dma_wait3A_149 = tpu.memref_slice %arg3[%add3A_141, %dma_wait3A_148] : memref<8192x1024xf32, #tpu.memory_space<hbm>> -> memref<16x1024xf32, #tpu.memory_space<hbm>>
      %dma_wait3A_150 = tpu.memref_slice %arg9[%dma_wait3A_143] : memref<2x!tpu.dma_semaphore, #tpu.memory_space<semaphore_mem>> -> memref<1x!tpu.dma_semaphore, #tpu.memory_space<semaphore_mem>>
      %dma_wait3A_151 = tpu.memref_squeeze %dma_wait3A_150 : memref<1x!tpu.dma_semaphore, #tpu.memory_space<semaphore_mem>> -> memref<!tpu.dma_semaphore, #tpu.memory_space<semaphore_mem>>
      %dma_wait3A_152 = arith.constant 0 : i32
      %dma_wait3A_153 = arith.constant 0 : i32
      %dma_wait3A_154 = tpu.memref_slice %arg5[%dma_wait3A_142, %dma_wait3A_152, %dma_wait3A_153] : memref<2x16x1024xf32, #tpu.memory_space<vmem>> -> memref<1x16x1024xf32, #tpu.memory_space<vmem>>
      %dma_wait3A_155 = tpu.memref_squeeze %dma_wait3A_154 : memref<1x16x1024xf32, #tpu.memory_space<vmem>> -> memref<16x1024xf32, #tpu.memory_space<vmem>>
      %dma_wait3A_156 = arith.constant 0 : i32
      %dma_wait3A_157 = tpu.memref_slice %arg3[%add3A_141, %dma_wait3A_156] : memref<8192x1024xf32, #tpu.memory_space<hbm>> -> memref<16x1024xf32, #tpu.memory_space<hbm>>
      tpu.wait_dma2 semaphore(%dma_wait3A_151 : memref<!tpu.dma_semaphore, #tpu.memory_space<semaphore_mem>>) src(%dma_wait3A_157 : memref<16x1024xf32, #tpu.memory_space<hbm>>) dst(%dma_wait3A_155 : memref<16x1024xf32, #tpu.memory_space<vmem>>)
      %lt3A = arith.constant 15 : i32
      %lt3A_158 = arith.cmpi slt, %add3A_114, %lt3A : i32
      %convert_element_type3A_159 = arith.extui %lt3A_158 : i1 to i32
      %cond3A_160 = arith.constant 0 : i32
      %cond3A_161 = arith.cmpi ne, %convert_element_type3A_159, %cond3A_160 : i32
      scf.if %cond3A_161 {
        %add3A_732 = arith.constant 1 : i32
        %add3A_733 = arith.addi %add3A_114, %add3A_732 : i32
        %mul3A_734 = arith.constant 16 : i32
        %mul3A_735 = arith.muli %add3A_733, %mul3A_734 : i32
        %add3A_736 = arith.addi %mul3A_2, %mul3A_735 : i32
        %dma_start3A_737 = arith.constant 1 : i32
        %dma_start3A_738 = arith.constant 1 : i32
        %dma_start3A_739 = arith.constant 0 : i32
        %dma_start3A_740 = arith.constant 0 : i32
        %dma_start3A_741 = tpu.memref_slice %arg5[%dma_start3A_737, %dma_start3A_739, %dma_start3A_740] : memref<2x16x1024xf32, #tpu.memory_space<vmem>> -> memref<1x16x1024xf32, #tpu.memory_space<vmem>>
        %dma_start3A_742 = tpu.memref_squeeze %dma_start3A_741 : memref<1x16x1024xf32, #tpu.memory_space<vmem>> -> memref<16x1024xf32, #tpu.memory_space<vmem>>
        %dma_start3A_743 = arith.constant 0 : i32
        %dma_start3A_744 = tpu.memref_slice %arg3[%add3A_736, %dma_start3A_743] : memref<8192x1024xf32, #tpu.memory_space<hbm>> -> memref<16x1024xf32, #tpu.memory_space<hbm>>
        %dma_start3A_745 = tpu.memref_slice %arg9[%dma_start3A_738] : memref<2x!tpu.dma_semaphore, #tpu.memory_space<semaphore_mem>> -> memref<1x!tpu.dma_semaphore, #tpu.memory_space<semaphore_mem>>
        %dma_start3A_746 = tpu.memref_squeeze %dma_start3A_745 : memref<1x!tpu.dma_semaphore, #tpu.memory_space<semaphore_mem>> -> memref<!tpu.dma_semaphore, #tpu.memory_space<semaphore_mem>>
        %dma_start3A_747 = arith.constant 0 : i32
        %dma_start3A_748 = arith.constant 0 : i32
        %dma_start3A_749 = tpu.memref_slice %arg5[%dma_start3A_737, %dma_start3A_747, %dma_start3A_748] : memref<2x16x1024xf32, #tpu.memory_space<vmem>> -> memref<1x16x1024xf32, #tpu.memory_space<vmem>>
        %dma_start3A_750 = tpu.memref_squeeze %dma_start3A_749 : memref<1x16x1024xf32, #tpu.memory_space<vmem>> -> memref<16x1024xf32, #tpu.memory_space<vmem>>
        %dma_start3A_751 = arith.constant 0 : i32
        %dma_start3A_752 = tpu.memref_slice %arg3[%add3A_736, %dma_start3A_751] : memref<8192x1024xf32, #tpu.memory_space<hbm>> -> memref<16x1024xf32, #tpu.memory_space<hbm>>
        tpu.enqueue_dma source(%dma_start3A_752 : memref<16x1024xf32, #tpu.memory_space<hbm>>) target(%dma_start3A_750 : memref<16x1024xf32, #tpu.memory_space<vmem>>) target_semaphore(%dma_start3A_746 : memref<!tpu.dma_semaphore, #tpu.memory_space<semaphore_mem>>)
      } else {
      }
      %mul3A_162 = arith.constant 16 : i32
      %mul3A_163 = arith.muli %add3A_114, %mul3A_162 : i32
      %add3A_164 = arith.addi %mul3A_2, %mul3A_163 : i32
      %dma_wait3A_165 = arith.constant 0 : i32
      %dma_wait3A_166 = arith.constant 0 : i32
      %dma_wait3A_167 = arith.constant 0 : i32
      %dma_wait3A_168 = arith.constant 0 : i32
      %dma_wait3A_169 = arith.constant 0 : i32
      %dma_wait3A_170 = tpu.memref_slice %arg6[%dma_wait3A_166, %dma_wait3A_168, %dma_wait3A_169] : memref<4x16x1024xf32, #tpu.memory_space<vmem>> -> memref<1x16x1024xf32, #tpu.memory_space<vmem>>
      %dma_wait3A_171 = tpu.memref_squeeze %dma_wait3A_170 : memref<1x16x1024xf32, #tpu.memory_space<vmem>> -> memref<16x1024xf32, #tpu.memory_space<vmem>>
      %dma_wait3A_172 = arith.constant 0 : i32
      %dma_wait3A_173 = tpu.memref_slice %arg2[%dma_wait3A_165, %add3A_164, %dma_wait3A_172] : memref<4x8192x1024xf32, #tpu.memory_space<hbm>> -> memref<1x16x1024xf32, #tpu.memory_space<hbm>>
      %dma_wait3A_174 = tpu.memref_squeeze %dma_wait3A_173 : memref<1x16x1024xf32, #tpu.memory_space<hbm>> -> memref<16x1024xf32, #tpu.memory_space<hbm>>
      %dma_wait3A_175 = tpu.memref_slice %arg7[%dma_wait3A_167] : memref<4x!tpu.dma_semaphore, #tpu.memory_space<semaphore_mem>> -> memref<1x!tpu.dma_semaphore, #tpu.memory_space<semaphore_mem>>
      %dma_wait3A_176 = tpu.memref_squeeze %dma_wait3A_175 : memref<1x!tpu.dma_semaphore, #tpu.memory_space<semaphore_mem>> -> memref<!tpu.dma_semaphore, #tpu.memory_space<semaphore_mem>>
      %dma_wait3A_177 = arith.constant 0 : i32
      %dma_wait3A_178 = arith.constant 0 : i32
      %dma_wait3A_179 = tpu.memref_slice %arg6[%dma_wait3A_166, %dma_wait3A_177, %dma_wait3A_178] : memref<4x16x1024xf32, #tpu.memory_space<vmem>> -> memref<1x16x1024xf32, #tpu.memory_space<vmem>>
      %dma_wait3A_180 = tpu.memref_squeeze %dma_wait3A_179 : memref<1x16x1024xf32, #tpu.memory_space<vmem>> -> memref<16x1024xf32, #tpu.memory_space<vmem>>
      %dma_wait3A_181 = arith.constant 0 : i32
      %dma_wait3A_182 = tpu.memref_slice %arg2[%dma_wait3A_165, %add3A_164, %dma_wait3A_181] : memref<4x8192x1024xf32, #tpu.memory_space<hbm>> -> memref<1x16x1024xf32, #tpu.memory_space<hbm>>
      %dma_wait3A_183 = tpu.memref_squeeze %dma_wait3A_182 : memref<1x16x1024xf32, #tpu.memory_space<hbm>> -> memref<16x1024xf32, #tpu.memory_space<hbm>>
      tpu.wait_dma2 semaphore(%dma_wait3A_176 : memref<!tpu.dma_semaphore, #tpu.memory_space<semaphore_mem>>) src(%dma_wait3A_183 : memref<16x1024xf32, #tpu.memory_space<hbm>>) dst(%dma_wait3A_180 : memref<16x1024xf32, #tpu.memory_space<vmem>>)
      %mul3A_184 = arith.constant 16 : i32
      %mul3A_185 = arith.muli %add3A_114, %mul3A_184 : i32
      %add3A_186 = arith.addi %mul3A_2, %mul3A_185 : i32
      %dma_start3A_187 = arith.constant 0 : i32
      %dma_start3A_188 = arith.constant 0 : i32
      %dma_start3A_189 = arith.constant 0 : i32
      %dma_start3A_190 = arith.constant 0 : i32
      %dma_start3A_191 = arith.constant 0 : i32
      %dma_start3A_192 = tpu.memref_slice %arg6[%dma_start3A_187, %dma_start3A_190, %dma_start3A_191] : memref<4x16x1024xf32, #tpu.memory_space<vmem>> -> memref<1x16x1024xf32, #tpu.memory_space<vmem>>
      %dma_start3A_193 = tpu.memref_squeeze %dma_start3A_192 : memref<1x16x1024xf32, #tpu.memory_space<vmem>> -> memref<16x1024xf32, #tpu.memory_space<vmem>>
      %dma_start3A_194 = arith.constant 0 : i32
      %dma_start3A_195 = tpu.memref_slice %arg4[%dma_start3A_188, %add3A_186, %dma_start3A_194] : memref<4x8192x1024xf32, #tpu.memory_space<hbm>> -> memref<1x16x1024xf32, #tpu.memory_space<hbm>>
      %dma_start3A_196 = tpu.memref_squeeze %dma_start3A_195 : memref<1x16x1024xf32, #tpu.memory_space<hbm>> -> memref<16x1024xf32, #tpu.memory_space<hbm>>
      %dma_start3A_197 = tpu.memref_slice %arg8[%dma_start3A_189] : memref<4x!tpu.dma_semaphore, #tpu.memory_space<semaphore_mem>> -> memref<1x!tpu.dma_semaphore, #tpu.memory_space<semaphore_mem>>
      %dma_start3A_198 = tpu.memref_squeeze %dma_start3A_197 : memref<1x!tpu.dma_semaphore, #tpu.memory_space<semaphore_mem>> -> memref<!tpu.dma_semaphore, #tpu.memory_space<semaphore_mem>>
      %dma_start3A_199 = arith.constant 0 : i32
      %dma_start3A_200 = tpu.memref_slice %arg4[%dma_start3A_188, %add3A_186, %dma_start3A_199] : memref<4x8192x1024xf32, #tpu.memory_space<hbm>> -> memref<1x16x1024xf32, #tpu.memory_space<hbm>>
      %dma_start3A_201 = tpu.memref_squeeze %dma_start3A_200 : memref<1x16x1024xf32, #tpu.memory_space<hbm>> -> memref<16x1024xf32, #tpu.memory_space<hbm>>
      %dma_start3A_202 = arith.constant 0 : i32
      %dma_start3A_203 = arith.constant 0 : i32
      %dma_start3A_204 = tpu.memref_slice %arg6[%dma_start3A_187, %dma_start3A_202, %dma_start3A_203] : memref<4x16x1024xf32, #tpu.memory_space<vmem>> -> memref<1x16x1024xf32, #tpu.memory_space<vmem>>
      %dma_start3A_205 = tpu.memref_squeeze %dma_start3A_204 : memref<1x16x1024xf32, #tpu.memory_space<vmem>> -> memref<16x1024xf32, #tpu.memory_space<vmem>>
      tpu.enqueue_dma source(%dma_start3A_205 : memref<16x1024xf32, #tpu.memory_space<vmem>>) target(%dma_start3A_201 : memref<16x1024xf32, #tpu.memory_space<hbm>>) target_semaphore(%dma_start3A_198 : memref<!tpu.dma_semaphore, #tpu.memory_space<semaphore_mem>>)
      %ge3A_206 = arith.constant 1 : i32
      %ge3A_207 = arith.cmpi sge, %add3A_114, %ge3A_206 : i32
      %convert_element_type3A_208 = arith.extui %ge3A_207 : i1 to i32
      %cond3A_209 = arith.constant 0 : i32
      %cond3A_210 = arith.cmpi ne, %convert_element_type3A_208, %cond3A_209 : i32
      scf.if %cond3A_210 {
        %sub3A = arith.constant 1 : i32
        %sub3A_732 = arith.subi %add3A_114, %sub3A : i32
        %mul3A_733 = arith.constant 16 : i32
        %mul3A_734 = arith.muli %sub3A_732, %mul3A_733 : i32
        %add3A_735 = arith.addi %mul3A_2, %mul3A_734 : i32
        %dma_wait3A_736 = arith.constant 3 : i32
        %dma_wait3A_737 = arith.constant 3 : i32
        %dma_wait3A_738 = arith.constant 3 : i32
        %dma_wait3A_739 = arith.constant 0 : i32
        %dma_wait3A_740 = arith.constant 0 : i32
        %dma_wait3A_741 = tpu.memref_slice %arg6[%dma_wait3A_736, %dma_wait3A_739, %dma_wait3A_740] : memref<4x16x1024xf32, #tpu.memory_space<vmem>> -> memref<1x16x1024xf32, #tpu.memory_space<vmem>>
        %dma_wait3A_742 = tpu.memref_squeeze %dma_wait3A_741 : memref<1x16x1024xf32, #tpu.memory_space<vmem>> -> memref<16x1024xf32, #tpu.memory_space<vmem>>
        %dma_wait3A_743 = arith.constant 0 : i32
        %dma_wait3A_744 = tpu.memref_slice %arg4[%dma_wait3A_737, %add3A_735, %dma_wait3A_743] : memref<4x8192x1024xf32, #tpu.memory_space<hbm>> -> memref<1x16x1024xf32, #tpu.memory_space<hbm>>
        %dma_wait3A_745 = tpu.memref_squeeze %dma_wait3A_744 : memref<1x16x1024xf32, #tpu.memory_space<hbm>> -> memref<16x1024xf32, #tpu.memory_space<hbm>>
        %dma_wait3A_746 = tpu.memref_slice %arg8[%dma_wait3A_738] : memref<4x!tpu.dma_semaphore, #tpu.memory_space<semaphore_mem>> -> memref<1x!tpu.dma_semaphore, #tpu.memory_space<semaphore_mem>>
        %dma_wait3A_747 = tpu.memref_squeeze %dma_wait3A_746 : memref<1x!tpu.dma_semaphore, #tpu.memory_space<semaphore_mem>> -> memref<!tpu.dma_semaphore, #tpu.memory_space<semaphore_mem>>
        %dma_wait3A_748 = arith.constant 0 : i32
        %dma_wait3A_749 = tpu.memref_slice %arg4[%dma_wait3A_737, %add3A_735, %dma_wait3A_748] : memref<4x8192x1024xf32, #tpu.memory_space<hbm>> -> memref<1x16x1024xf32, #tpu.memory_space<hbm>>
        %dma_wait3A_750 = tpu.memref_squeeze %dma_wait3A_749 : memref<1x16x1024xf32, #tpu.memory_space<hbm>> -> memref<16x1024xf32, #tpu.memory_space<hbm>>
        %dma_wait3A_751 = arith.constant 0 : i32
        %dma_wait3A_752 = arith.constant 0 : i32
        %dma_wait3A_753 = tpu.memref_slice %arg6[%dma_wait3A_736, %dma_wait3A_751, %dma_wait3A_752] : memref<4x16x1024xf32, #tpu.memory_space<vmem>> -> memref<1x16x1024xf32, #tpu.memory_space<vmem>>
        %dma_wait3A_754 = tpu.memref_squeeze %dma_wait3A_753 : memref<1x16x1024xf32, #tpu.memory_space<vmem>> -> memref<16x1024xf32, #tpu.memory_space<vmem>>
        tpu.wait_dma2 semaphore(%dma_wait3A_747 : memref<!tpu.dma_semaphore, #tpu.memory_space<semaphore_mem>>) src(%dma_wait3A_754 : memref<16x1024xf32, #tpu.memory_space<vmem>>) dst(%dma_wait3A_750 : memref<16x1024xf32, #tpu.memory_space<hbm>>)
      } else {
      }
      %mul3A_211 = arith.constant 16 : i32
      %mul3A_212 = arith.muli %add3A_114, %mul3A_211 : i32
      %add3A_213 = arith.addi %mul3A_2, %mul3A_212 : i32
      %dma_start3A_214 = arith.constant 3 : i32
      %dma_start3A_215 = arith.constant 3 : i32
      %dma_start3A_216 = arith.constant 3 : i32
      %dma_start3A_217 = arith.constant 0 : i32
      %dma_start3A_218 = arith.constant 0 : i32
      %dma_start3A_219 = tpu.memref_slice %arg6[%dma_start3A_215, %dma_start3A_217, %dma_start3A_218] : memref<4x16x1024xf32, #tpu.memory_space<vmem>> -> memref<1x16x1024xf32, #tpu.memory_space<vmem>>
      %dma_start3A_220 = tpu.memref_squeeze %dma_start3A_219 : memref<1x16x1024xf32, #tpu.memory_space<vmem>> -> memref<16x1024xf32, #tpu.memory_space<vmem>>
      %dma_start3A_221 = arith.constant 0 : i32
      %dma_start3A_222 = tpu.memref_slice %arg2[%dma_start3A_214, %add3A_213, %dma_start3A_221] : memref<4x8192x1024xf32, #tpu.memory_space<hbm>> -> memref<1x16x1024xf32, #tpu.memory_space<hbm>>
      %dma_start3A_223 = tpu.memref_squeeze %dma_start3A_222 : memref<1x16x1024xf32, #tpu.memory_space<hbm>> -> memref<16x1024xf32, #tpu.memory_space<hbm>>
      %dma_start3A_224 = tpu.memref_slice %arg7[%dma_start3A_216] : memref<4x!tpu.dma_semaphore, #tpu.memory_space<semaphore_mem>> -> memref<1x!tpu.dma_semaphore, #tpu.memory_space<semaphore_mem>>
      %dma_start3A_225 = tpu.memref_squeeze %dma_start3A_224 : memref<1x!tpu.dma_semaphore, #tpu.memory_space<semaphore_mem>> -> memref<!tpu.dma_semaphore, #tpu.memory_space<semaphore_mem>>
      %dma_start3A_226 = arith.constant 0 : i32
      %dma_start3A_227 = arith.constant 0 : i32
      %dma_start3A_228 = tpu.memref_slice %arg6[%dma_start3A_215, %dma_start3A_226, %dma_start3A_227] : memref<4x16x1024xf32, #tpu.memory_space<vmem>> -> memref<1x16x1024xf32, #tpu.memory_space<vmem>>
      %dma_start3A_229 = tpu.memref_squeeze %dma_start3A_228 : memref<1x16x1024xf32, #tpu.memory_space<vmem>> -> memref<16x1024xf32, #tpu.memory_space<vmem>>
      %dma_start3A_230 = arith.constant 0 : i32
      %dma_start3A_231 = tpu.memref_slice %arg2[%dma_start3A_214, %add3A_213, %dma_start3A_230] : memref<4x8192x1024xf32, #tpu.memory_space<hbm>> -> memref<1x16x1024xf32, #tpu.memory_space<hbm>>
      %dma_start3A_232 = tpu.memref_squeeze %dma_start3A_231 : memref<1x16x1024xf32, #tpu.memory_space<hbm>> -> memref<16x1024xf32, #tpu.memory_space<hbm>>
      tpu.enqueue_dma source(%dma_start3A_232 : memref<16x1024xf32, #tpu.memory_space<hbm>>) target(%dma_start3A_229 : memref<16x1024xf32, #tpu.memory_space<vmem>>) target_semaphore(%dma_start3A_225 : memref<!tpu.dma_semaphore, #tpu.memory_space<semaphore_mem>>)
      %mul3A_233 = arith.constant 16 : i32
      %mul3A_234 = arith.muli %add3A_114, %mul3A_233 : i32
      %add3A_235 = arith.addi %mul3A_2, %mul3A_234 : i32
      %dma_wait3A_236 = arith.constant 1 : i32
      %dma_wait3A_237 = arith.constant 1 : i32
      %dma_wait3A_238 = arith.constant 1 : i32
      %dma_wait3A_239 = arith.constant 0 : i32
      %dma_wait3A_240 = arith.constant 0 : i32
      %dma_wait3A_241 = tpu.memref_slice %arg6[%dma_wait3A_237, %dma_wait3A_239, %dma_wait3A_240] : memref<4x16x1024xf32, #tpu.memory_space<vmem>> -> memref<1x16x1024xf32, #tpu.memory_space<vmem>>
      %dma_wait3A_242 = tpu.memref_squeeze %dma_wait3A_241 : memref<1x16x1024xf32, #tpu.memory_space<vmem>> -> memref<16x1024xf32, #tpu.memory_space<vmem>>
      %dma_wait3A_243 = arith.constant 0 : i32
      %dma_wait3A_244 = tpu.memref_slice %arg2[%dma_wait3A_236, %add3A_235, %dma_wait3A_243] : memref<4x8192x1024xf32, #tpu.memory_space<hbm>> -> memref<1x16x1024xf32, #tpu.memory_space<hbm>>
      %dma_wait3A_245 = tpu.memref_squeeze %dma_wait3A_244 : memref<1x16x1024xf32, #tpu.memory_space<hbm>> -> memref<16x1024xf32, #tpu.memory_space<hbm>>
      %dma_wait3A_246 = tpu.memref_slice %arg7[%dma_wait3A_238] : memref<4x!tpu.dma_semaphore, #tpu.memory_space<semaphore_mem>> -> memref<1x!tpu.dma_semaphore, #tpu.memory_space<semaphore_mem>>
      %dma_wait3A_247 = tpu.memref_squeeze %dma_wait3A_246 : memref<1x!tpu.dma_semaphore, #tpu.memory_space<semaphore_mem>> -> memref<!tpu.dma_semaphore, #tpu.memory_space<semaphore_mem>>
      %dma_wait3A_248 = arith.constant 0 : i32
      %dma_wait3A_249 = arith.constant 0 : i32
      %dma_wait3A_250 = tpu.memref_slice %arg6[%dma_wait3A_237, %dma_wait3A_248, %dma_wait3A_249] : memref<4x16x1024xf32, #tpu.memory_space<vmem>> -> memref<1x16x1024xf32, #tpu.memory_space<vmem>>
      %dma_wait3A_251 = tpu.memref_squeeze %dma_wait3A_250 : memref<1x16x1024xf32, #tpu.memory_space<vmem>> -> memref<16x1024xf32, #tpu.memory_space<vmem>>
      %dma_wait3A_252 = arith.constant 0 : i32
      %dma_wait3A_253 = tpu.memref_slice %arg2[%dma_wait3A_236, %add3A_235, %dma_wait3A_252] : memref<4x8192x1024xf32, #tpu.memory_space<hbm>> -> memref<1x16x1024xf32, #tpu.memory_space<hbm>>
      %dma_wait3A_254 = tpu.memref_squeeze %dma_wait3A_253 : memref<1x16x1024xf32, #tpu.memory_space<hbm>> -> memref<16x1024xf32, #tpu.memory_space<hbm>>
      tpu.wait_dma2 semaphore(%dma_wait3A_247 : memref<!tpu.dma_semaphore, #tpu.memory_space<semaphore_mem>>) src(%dma_wait3A_254 : memref<16x1024xf32, #tpu.memory_space<hbm>>) dst(%dma_wait3A_251 : memref<16x1024xf32, #tpu.memory_space<vmem>>)
      %mul3A_255 = arith.constant 16 : i32
      %mul3A_256 = arith.muli %add3A_114, %mul3A_255 : i32
      %add3A_257 = arith.addi %mul3A_2, %mul3A_256 : i32
      %dma_start3A_258 = arith.constant 1 : i32
      %dma_start3A_259 = arith.constant 1 : i32
      %dma_start3A_260 = arith.constant 1 : i32
      %dma_start3A_261 = arith.constant 0 : i32
      %dma_start3A_262 = arith.constant 0 : i32
      %dma_start3A_263 = tpu.memref_slice %arg6[%dma_start3A_258, %dma_start3A_261, %dma_start3A_262] : memref<4x16x1024xf32, #tpu.memory_space<vmem>> -> memref<1x16x1024xf32, #tpu.memory_space<vmem>>
      %dma_start3A_264 = tpu.memref_squeeze %dma_start3A_263 : memref<1x16x1024xf32, #tpu.memory_space<vmem>> -> memref<16x1024xf32, #tpu.memory_space<vmem>>
      %dma_start3A_265 = arith.constant 0 : i32
      %dma_start3A_266 = tpu.memref_slice %arg4[%dma_start3A_259, %add3A_257, %dma_start3A_265] : memref<4x8192x1024xf32, #tpu.memory_space<hbm>> -> memref<1x16x1024xf32, #tpu.memory_space<hbm>>
      %dma_start3A_267 = tpu.memref_squeeze %dma_start3A_266 : memref<1x16x1024xf32, #tpu.memory_space<hbm>> -> memref<16x1024xf32, #tpu.memory_space<hbm>>
      %dma_start3A_268 = tpu.memref_slice %arg8[%dma_start3A_260] : memref<4x!tpu.dma_semaphore, #tpu.memory_space<semaphore_mem>> -> memref<1x!tpu.dma_semaphore, #tpu.memory_space<semaphore_mem>>
      %dma_start3A_269 = tpu.memref_squeeze %dma_start3A_268 : memref<1x!tpu.dma_semaphore, #tpu.memory_space<semaphore_mem>> -> memref<!tpu.dma_semaphore, #tpu.memory_space<semaphore_mem>>
      %dma_start3A_270 = arith.constant 0 : i32
      %dma_start3A_271 = tpu.memref_slice %arg4[%dma_start3A_259, %add3A_257, %dma_start3A_270] : memref<4x8192x1024xf32, #tpu.memory_space<hbm>> -> memref<1x16x1024xf32, #tpu.memory_space<hbm>>
      %dma_start3A_272 = tpu.memref_squeeze %dma_start3A_271 : memref<1x16x1024xf32, #tpu.memory_space<hbm>> -> memref<16x1024xf32, #tpu.memory_space<hbm>>
      %dma_start3A_273 = arith.constant 0 : i32
      %dma_start3A_274 = arith.constant 0 : i32
      %dma_start3A_275 = tpu.memref_slice %arg6[%dma_start3A_258, %dma_start3A_273, %dma_start3A_274] : memref<4x16x1024xf32, #tpu.memory_space<vmem>> -> memref<1x16x1024xf32, #tpu.memory_space<vmem>>
      %dma_start3A_276 = tpu.memref_squeeze %dma_start3A_275 : memref<1x16x1024xf32, #tpu.memory_space<vmem>> -> memref<16x1024xf32, #tpu.memory_space<vmem>>
      tpu.enqueue_dma source(%dma_start3A_276 : memref<16x1024xf32, #tpu.memory_space<vmem>>) target(%dma_start3A_272 : memref<16x1024xf32, #tpu.memory_space<hbm>>) target_semaphore(%dma_start3A_269 : memref<!tpu.dma_semaphore, #tpu.memory_space<semaphore_mem>>)
      %mul3A_277 = arith.constant 16 : i32
      %mul3A_278 = arith.muli %add3A_114, %mul3A_277 : i32
      %add3A_279 = arith.addi %mul3A_2, %mul3A_278 : i32
      %dma_wait3A_280 = arith.constant 0 : i32
      %dma_wait3A_281 = arith.constant 0 : i32
      %dma_wait3A_282 = arith.constant 0 : i32
      %dma_wait3A_283 = arith.constant 0 : i32
      %dma_wait3A_284 = arith.constant 0 : i32
      %dma_wait3A_285 = tpu.memref_slice %arg6[%dma_wait3A_280, %dma_wait3A_283, %dma_wait3A_284] : memref<4x16x1024xf32, #tpu.memory_space<vmem>> -> memref<1x16x1024xf32, #tpu.memory_space<vmem>>
      %dma_wait3A_286 = tpu.memref_squeeze %dma_wait3A_285 : memref<1x16x1024xf32, #tpu.memory_space<vmem>> -> memref<16x1024xf32, #tpu.memory_space<vmem>>
      %dma_wait3A_287 = arith.constant 0 : i32
      %dma_wait3A_288 = tpu.memref_slice %arg4[%dma_wait3A_281, %add3A_279, %dma_wait3A_287] : memref<4x8192x1024xf32, #tpu.memory_space<hbm>> -> memref<1x16x1024xf32, #tpu.memory_space<hbm>>
      %dma_wait3A_289 = tpu.memref_squeeze %dma_wait3A_288 : memref<1x16x1024xf32, #tpu.memory_space<hbm>> -> memref<16x1024xf32, #tpu.memory_space<hbm>>
      %dma_wait3A_290 = tpu.memref_slice %arg8[%dma_wait3A_282] : memref<4x!tpu.dma_semaphore, #tpu.memory_space<semaphore_mem>> -> memref<1x!tpu.dma_semaphore, #tpu.memory_space<semaphore_mem>>
      %dma_wait3A_291 = tpu.memref_squeeze %dma_wait3A_290 : memref<1x!tpu.dma_semaphore, #tpu.memory_space<semaphore_mem>> -> memref<!tpu.dma_semaphore, #tpu.memory_space<semaphore_mem>>
      %dma_wait3A_292 = arith.constant 0 : i32
      %dma_wait3A_293 = tpu.memref_slice %arg4[%dma_wait3A_281, %add3A_279, %dma_wait3A_292] : memref<4x8192x1024xf32, #tpu.memory_space<hbm>> -> memref<1x16x1024xf32, #tpu.memory_space<hbm>>
      %dma_wait3A_294 = tpu.memref_squeeze %dma_wait3A_293 : memref<1x16x1024xf32, #tpu.memory_space<hbm>> -> memref<16x1024xf32, #tpu.memory_space<hbm>>
      %dma_wait3A_295 = arith.constant 0 : i32
      %dma_wait3A_296 = arith.constant 0 : i32
      %dma_wait3A_297 = tpu.memref_slice %arg6[%dma_wait3A_280, %dma_wait3A_295, %dma_wait3A_296] : memref<4x16x1024xf32, #tpu.memory_space<vmem>> -> memref<1x16x1024xf32, #tpu.memory_space<vmem>>
      %dma_wait3A_298 = tpu.memref_squeeze %dma_wait3A_297 : memref<1x16x1024xf32, #tpu.memory_space<vmem>> -> memref<16x1024xf32, #tpu.memory_space<vmem>>
      tpu.wait_dma2 semaphore(%dma_wait3A_291 : memref<!tpu.dma_semaphore, #tpu.memory_space<semaphore_mem>>) src(%dma_wait3A_298 : memref<16x1024xf32, #tpu.memory_space<vmem>>) dst(%dma_wait3A_294 : memref<16x1024xf32, #tpu.memory_space<hbm>>)
      %lt3A_299 = arith.constant 15 : i32
      %lt3A_300 = arith.cmpi slt, %add3A_114, %lt3A_299 : i32
      %convert_element_type3A_301 = arith.extui %lt3A_300 : i1 to i32
      %cond3A_302 = arith.constant 0 : i32
      %cond3A_303 = arith.cmpi ne, %convert_element_type3A_301, %cond3A_302 : i32
      scf.if %cond3A_303 {
        %add3A_732 = arith.constant 1 : i32
        %add3A_733 = arith.addi %add3A_114, %add3A_732 : i32
        %mul3A_734 = arith.constant 16 : i32
        %mul3A_735 = arith.muli %add3A_733, %mul3A_734 : i32
        %add3A_736 = arith.addi %mul3A_2, %mul3A_735 : i32
        %dma_start3A_737 = arith.constant 0 : i32
        %dma_start3A_738 = arith.constant 0 : i32
        %dma_start3A_739 = arith.constant 0 : i32
        %dma_start3A_740 = arith.constant 0 : i32
        %dma_start3A_741 = arith.constant 0 : i32
        %dma_start3A_742 = tpu.memref_slice %arg6[%dma_start3A_738, %dma_start3A_740, %dma_start3A_741] : memref<4x16x1024xf32, #tpu.memory_space<vmem>> -> memref<1x16x1024xf32, #tpu.memory_space<vmem>>
        %dma_start3A_743 = tpu.memref_squeeze %dma_start3A_742 : memref<1x16x1024xf32, #tpu.memory_space<vmem>> -> memref<16x1024xf32, #tpu.memory_space<vmem>>
        %dma_start3A_744 = arith.constant 0 : i32
        %dma_start3A_745 = tpu.memref_slice %arg2[%dma_start3A_737, %add3A_736, %dma_start3A_744] : memref<4x8192x1024xf32, #tpu.memory_space<hbm>> -> memref<1x16x1024xf32, #tpu.memory_space<hbm>>
        %dma_start3A_746 = tpu.memref_squeeze %dma_start3A_745 : memref<1x16x1024xf32, #tpu.memory_space<hbm>> -> memref<16x1024xf32, #tpu.memory_space<hbm>>
        %dma_start3A_747 = tpu.memref_slice %arg7[%dma_start3A_739] : memref<4x!tpu.dma_semaphore, #tpu.memory_space<semaphore_mem>> -> memref<1x!tpu.dma_semaphore, #tpu.memory_space<semaphore_mem>>
        %dma_start3A_748 = tpu.memref_squeeze %dma_start3A_747 : memref<1x!tpu.dma_semaphore, #tpu.memory_space<semaphore_mem>> -> memref<!tpu.dma_semaphore, #tpu.memory_space<semaphore_mem>>
        %dma_start3A_749 = arith.constant 0 : i32
        %dma_start3A_750 = arith.constant 0 : i32
        %dma_start3A_751 = tpu.memref_slice %arg6[%dma_start3A_738, %dma_start3A_749, %dma_start3A_750] : memref<4x16x1024xf32, #tpu.memory_space<vmem>> -> memref<1x16x1024xf32, #tpu.memory_space<vmem>>
        %dma_start3A_752 = tpu.memref_squeeze %dma_start3A_751 : memref<1x16x1024xf32, #tpu.memory_space<vmem>> -> memref<16x1024xf32, #tpu.memory_space<vmem>>
        %dma_start3A_753 = arith.constant 0 : i32
        %dma_start3A_754 = tpu.memref_slice %arg2[%dma_start3A_737, %add3A_736, %dma_start3A_753] : memref<4x8192x1024xf32, #tpu.memory_space<hbm>> -> memref<1x16x1024xf32, #tpu.memory_space<hbm>>
        %dma_start3A_755 = tpu.memref_squeeze %dma_start3A_754 : memref<1x16x1024xf32, #tpu.memory_space<hbm>> -> memref<16x1024xf32, #tpu.memory_space<hbm>>
        tpu.enqueue_dma source(%dma_start3A_755 : memref<16x1024xf32, #tpu.memory_space<hbm>>) target(%dma_start3A_752 : memref<16x1024xf32, #tpu.memory_space<vmem>>) target_semaphore(%dma_start3A_748 : memref<!tpu.dma_semaphore, #tpu.memory_space<semaphore_mem>>)
      } else {
      }
      %mul3A_304 = arith.constant 16 : i32
      %mul3A_305 = arith.muli %add3A_114, %mul3A_304 : i32
      %add3A_306 = arith.addi %mul3A_2, %mul3A_305 : i32
      %dma_wait3A_307 = arith.constant 2 : i32
      %dma_wait3A_308 = arith.constant 2 : i32
      %dma_wait3A_309 = arith.constant 2 : i32
      %dma_wait3A_310 = arith.constant 0 : i32
      %dma_wait3A_311 = arith.constant 0 : i32
      %dma_wait3A_312 = tpu.memref_slice %arg6[%dma_wait3A_308, %dma_wait3A_310, %dma_wait3A_311] : memref<4x16x1024xf32, #tpu.memory_space<vmem>> -> memref<1x16x1024xf32, #tpu.memory_space<vmem>>
      %dma_wait3A_313 = tpu.memref_squeeze %dma_wait3A_312 : memref<1x16x1024xf32, #tpu.memory_space<vmem>> -> memref<16x1024xf32, #tpu.memory_space<vmem>>
      %dma_wait3A_314 = arith.constant 0 : i32
      %dma_wait3A_315 = tpu.memref_slice %arg2[%dma_wait3A_307, %add3A_306, %dma_wait3A_314] : memref<4x8192x1024xf32, #tpu.memory_space<hbm>> -> memref<1x16x1024xf32, #tpu.memory_space<hbm>>
      %dma_wait3A_316 = tpu.memref_squeeze %dma_wait3A_315 : memref<1x16x1024xf32, #tpu.memory_space<hbm>> -> memref<16x1024xf32, #tpu.memory_space<hbm>>
      %dma_wait3A_317 = tpu.memref_slice %arg7[%dma_wait3A_309] : memref<4x!tpu.dma_semaphore, #tpu.memory_space<semaphore_mem>> -> memref<1x!tpu.dma_semaphore, #tpu.memory_space<semaphore_mem>>
      %dma_wait3A_318 = tpu.memref_squeeze %dma_wait3A_317 : memref<1x!tpu.dma_semaphore, #tpu.memory_space<semaphore_mem>> -> memref<!tpu.dma_semaphore, #tpu.memory_space<semaphore_mem>>
      %dma_wait3A_319 = arith.constant 0 : i32
      %dma_wait3A_320 = arith.constant 0 : i32
      %dma_wait3A_321 = tpu.memref_slice %arg6[%dma_wait3A_308, %dma_wait3A_319, %dma_wait3A_320] : memref<4x16x1024xf32, #tpu.memory_space<vmem>> -> memref<1x16x1024xf32, #tpu.memory_space<vmem>>
      %dma_wait3A_322 = tpu.memref_squeeze %dma_wait3A_321 : memref<1x16x1024xf32, #tpu.memory_space<vmem>> -> memref<16x1024xf32, #tpu.memory_space<vmem>>
      %dma_wait3A_323 = arith.constant 0 : i32
      %dma_wait3A_324 = tpu.memref_slice %arg2[%dma_wait3A_307, %add3A_306, %dma_wait3A_323] : memref<4x8192x1024xf32, #tpu.memory_space<hbm>> -> memref<1x16x1024xf32, #tpu.memory_space<hbm>>
      %dma_wait3A_325 = tpu.memref_squeeze %dma_wait3A_324 : memref<1x16x1024xf32, #tpu.memory_space<hbm>> -> memref<16x1024xf32, #tpu.memory_space<hbm>>
      tpu.wait_dma2 semaphore(%dma_wait3A_318 : memref<!tpu.dma_semaphore, #tpu.memory_space<semaphore_mem>>) src(%dma_wait3A_325 : memref<16x1024xf32, #tpu.memory_space<hbm>>) dst(%dma_wait3A_322 : memref<16x1024xf32, #tpu.memory_space<vmem>>)
      %mul3A_326 = arith.constant 16 : i32
      %mul3A_327 = arith.muli %add3A_114, %mul3A_326 : i32
      %add3A_328 = arith.addi %mul3A_2, %mul3A_327 : i32
      %dma_start3A_329 = arith.constant 2 : i32
      %dma_start3A_330 = arith.constant 2 : i32
      %dma_start3A_331 = arith.constant 2 : i32
      %dma_start3A_332 = arith.constant 0 : i32
      %dma_start3A_333 = arith.constant 0 : i32
      %dma_start3A_334 = tpu.memref_slice %arg6[%dma_start3A_329, %dma_start3A_332, %dma_start3A_333] : memref<4x16x1024xf32, #tpu.memory_space<vmem>> -> memref<1x16x1024xf32, #tpu.memory_space<vmem>>
      %dma_start3A_335 = tpu.memref_squeeze %dma_start3A_334 : memref<1x16x1024xf32, #tpu.memory_space<vmem>> -> memref<16x1024xf32, #tpu.memory_space<vmem>>
      %dma_start3A_336 = arith.constant 0 : i32
      %dma_start3A_337 = tpu.memref_slice %arg4[%dma_start3A_330, %add3A_328, %dma_start3A_336] : memref<4x8192x1024xf32, #tpu.memory_space<hbm>> -> memref<1x16x1024xf32, #tpu.memory_space<hbm>>
      %dma_start3A_338 = tpu.memref_squeeze %dma_start3A_337 : memref<1x16x1024xf32, #tpu.memory_space<hbm>> -> memref<16x1024xf32, #tpu.memory_space<hbm>>
      %dma_start3A_339 = tpu.memref_slice %arg8[%dma_start3A_331] : memref<4x!tpu.dma_semaphore, #tpu.memory_space<semaphore_mem>> -> memref<1x!tpu.dma_semaphore, #tpu.memory_space<semaphore_mem>>
      %dma_start3A_340 = tpu.memref_squeeze %dma_start3A_339 : memref<1x!tpu.dma_semaphore, #tpu.memory_space<semaphore_mem>> -> memref<!tpu.dma_semaphore, #tpu.memory_space<semaphore_mem>>
      %dma_start3A_341 = arith.constant 0 : i32
      %dma_start3A_342 = tpu.memref_slice %arg4[%dma_start3A_330, %add3A_328, %dma_start3A_341] : memref<4x8192x1024xf32, #tpu.memory_space<hbm>> -> memref<1x16x1024xf32, #tpu.memory_space<hbm>>
      %dma_start3A_343 = tpu.memref_squeeze %dma_start3A_342 : memref<1x16x1024xf32, #tpu.memory_space<hbm>> -> memref<16x1024xf32, #tpu.memory_space<hbm>>
      %dma_start3A_344 = arith.constant 0 : i32
      %dma_start3A_345 = arith.constant 0 : i32
      %dma_start3A_346 = tpu.memref_slice %arg6[%dma_start3A_329, %dma_start3A_344, %dma_start3A_345] : memref<4x16x1024xf32, #tpu.memory_space<vmem>> -> memref<1x16x1024xf32, #tpu.memory_space<vmem>>
      %dma_start3A_347 = tpu.memref_squeeze %dma_start3A_346 : memref<1x16x1024xf32, #tpu.memory_space<vmem>> -> memref<16x1024xf32, #tpu.memory_space<vmem>>
      tpu.enqueue_dma source(%dma_start3A_347 : memref<16x1024xf32, #tpu.memory_space<vmem>>) target(%dma_start3A_343 : memref<16x1024xf32, #tpu.memory_space<hbm>>) target_semaphore(%dma_start3A_340 : memref<!tpu.dma_semaphore, #tpu.memory_space<semaphore_mem>>)
      %mul3A_348 = arith.constant 16 : i32
      %mul3A_349 = arith.muli %add3A_114, %mul3A_348 : i32
      %add3A_350 = arith.addi %mul3A_2, %mul3A_349 : i32
      %dma_wait3A_351 = arith.constant 1 : i32
      %dma_wait3A_352 = arith.constant 1 : i32
      %dma_wait3A_353 = arith.constant 1 : i32
      %dma_wait3A_354 = arith.constant 0 : i32
      %dma_wait3A_355 = arith.constant 0 : i32
      %dma_wait3A_356 = tpu.memref_slice %arg6[%dma_wait3A_351, %dma_wait3A_354, %dma_wait3A_355] : memref<4x16x1024xf32, #tpu.memory_space<vmem>> -> memref<1x16x1024xf32, #tpu.memory_space<vmem>>
      %dma_wait3A_357 = tpu.memref_squeeze %dma_wait3A_356 : memref<1x16x1024xf32, #tpu.memory_space<vmem>> -> memref<16x1024xf32, #tpu.memory_space<vmem>>
      %dma_wait3A_358 = arith.constant 0 : i32
      %dma_wait3A_359 = tpu.memref_slice %arg4[%dma_wait3A_352, %add3A_350, %dma_wait3A_358] : memref<4x8192x1024xf32, #tpu.memory_space<hbm>> -> memref<1x16x1024xf32, #tpu.memory_space<hbm>>
      %dma_wait3A_360 = tpu.memref_squeeze %dma_wait3A_359 : memref<1x16x1024xf32, #tpu.memory_space<hbm>> -> memref<16x1024xf32, #tpu.memory_space<hbm>>
      %dma_wait3A_361 = tpu.memref_slice %arg8[%dma_wait3A_353] : memref<4x!tpu.dma_semaphore, #tpu.memory_space<semaphore_mem>> -> memref<1x!tpu.dma_semaphore, #tpu.memory_space<semaphore_mem>>
      %dma_wait3A_362 = tpu.memref_squeeze %dma_wait3A_361 : memref<1x!tpu.dma_semaphore, #tpu.memory_space<semaphore_mem>> -> memref<!tpu.dma_semaphore, #tpu.memory_space<semaphore_mem>>
      %dma_wait3A_363 = arith.constant 0 : i32
      %dma_wait3A_364 = tpu.memref_slice %arg4[%dma_wait3A_352, %add3A_350, %dma_wait3A_363] : memref<4x8192x1024xf32, #tpu.memory_space<hbm>> -> memref<1x16x1024xf32, #tpu.memory_space<hbm>>
      %dma_wait3A_365 = tpu.memref_squeeze %dma_wait3A_364 : memref<1x16x1024xf32, #tpu.memory_space<hbm>> -> memref<16x1024xf32, #tpu.memory_space<hbm>>
      %dma_wait3A_366 = arith.constant 0 : i32
      %dma_wait3A_367 = arith.constant 0 : i32
      %dma_wait3A_368 = tpu.memref_slice %arg6[%dma_wait3A_351, %dma_wait3A_366, %dma_wait3A_367] : memref<4x16x1024xf32, #tpu.memory_space<vmem>> -> memref<1x16x1024xf32, #tpu.memory_space<vmem>>
      %dma_wait3A_369 = tpu.memref_squeeze %dma_wait3A_368 : memref<1x16x1024xf32, #tpu.memory_space<vmem>> -> memref<16x1024xf32, #tpu.memory_space<vmem>>
      tpu.wait_dma2 semaphore(%dma_wait3A_362 : memref<!tpu.dma_semaphore, #tpu.memory_space<semaphore_mem>>) src(%dma_wait3A_369 : memref<16x1024xf32, #tpu.memory_space<vmem>>) dst(%dma_wait3A_365 : memref<16x1024xf32, #tpu.memory_space<hbm>>)
      %lt3A_370 = arith.constant 15 : i32
      %lt3A_371 = arith.cmpi slt, %add3A_114, %lt3A_370 : i32
      %convert_element_type3A_372 = arith.extui %lt3A_371 : i1 to i32
      %cond3A_373 = arith.constant 0 : i32
      %cond3A_374 = arith.cmpi ne, %convert_element_type3A_372, %cond3A_373 : i32
      scf.if %cond3A_374 {
        %add3A_732 = arith.constant 1 : i32
        %add3A_733 = arith.addi %add3A_114, %add3A_732 : i32
        %mul3A_734 = arith.constant 16 : i32
        %mul3A_735 = arith.muli %add3A_733, %mul3A_734 : i32
        %add3A_736 = arith.addi %mul3A_2, %mul3A_735 : i32
        %dma_start3A_737 = arith.constant 1 : i32
        %dma_start3A_738 = arith.constant 1 : i32
        %dma_start3A_739 = arith.constant 1 : i32
        %dma_start3A_740 = arith.constant 0 : i32
        %dma_start3A_741 = arith.constant 0 : i32
        %dma_start3A_742 = tpu.memref_slice %arg6[%dma_start3A_738, %dma_start3A_740, %dma_start3A_741] : memref<4x16x1024xf32, #tpu.memory_space<vmem>> -> memref<1x16x1024xf32, #tpu.memory_space<vmem>>
        %dma_start3A_743 = tpu.memref_squeeze %dma_start3A_742 : memref<1x16x1024xf32, #tpu.memory_space<vmem>> -> memref<16x1024xf32, #tpu.memory_space<vmem>>
        %dma_start3A_744 = arith.constant 0 : i32
        %dma_start3A_745 = tpu.memref_slice %arg2[%dma_start3A_737, %add3A_736, %dma_start3A_744] : memref<4x8192x1024xf32, #tpu.memory_space<hbm>> -> memref<1x16x1024xf32, #tpu.memory_space<hbm>>
        %dma_start3A_746 = tpu.memref_squeeze %dma_start3A_745 : memref<1x16x1024xf32, #tpu.memory_space<hbm>> -> memref<16x1024xf32, #tpu.memory_space<hbm>>
        %dma_start3A_747 = tpu.memref_slice %arg7[%dma_start3A_739] : memref<4x!tpu.dma_semaphore, #tpu.memory_space<semaphore_mem>> -> memref<1x!tpu.dma_semaphore, #tpu.memory_space<semaphore_mem>>
        %dma_start3A_748 = tpu.memref_squeeze %dma_start3A_747 : memref<1x!tpu.dma_semaphore, #tpu.memory_space<semaphore_mem>> -> memref<!tpu.dma_semaphore, #tpu.memory_space<semaphore_mem>>
        %dma_start3A_749 = arith.constant 0 : i32
        %dma_start3A_750 = arith.constant 0 : i32
        %dma_start3A_751 = tpu.memref_slice %arg6[%dma_start3A_738, %dma_start3A_749, %dma_start3A_750] : memref<4x16x1024xf32, #tpu.memory_space<vmem>> -> memref<1x16x1024xf32, #tpu.memory_space<vmem>>
        %dma_start3A_752 = tpu.memref_squeeze %dma_start3A_751 : memref<1x16x1024xf32, #tpu.memory_space<vmem>> -> memref<16x1024xf32, #tpu.memory_space<vmem>>
        %dma_start3A_753 = arith.constant 0 : i32
        %dma_start3A_754 = tpu.memref_slice %arg2[%dma_start3A_737, %add3A_736, %dma_start3A_753] : memref<4x8192x1024xf32, #tpu.memory_space<hbm>> -> memref<1x16x1024xf32, #tpu.memory_space<hbm>>
        %dma_start3A_755 = tpu.memref_squeeze %dma_start3A_754 : memref<1x16x1024xf32, #tpu.memory_space<hbm>> -> memref<16x1024xf32, #tpu.memory_space<hbm>>
        tpu.enqueue_dma source(%dma_start3A_755 : memref<16x1024xf32, #tpu.memory_space<hbm>>) target(%dma_start3A_752 : memref<16x1024xf32, #tpu.memory_space<vmem>>) target_semaphore(%dma_start3A_748 : memref<!tpu.dma_semaphore, #tpu.memory_space<semaphore_mem>>)
      } else {
      }
      %mul3A_375 = arith.constant 16 : i32
      %mul3A_376 = arith.muli %add3A_114, %mul3A_375 : i32
      %add3A_377 = arith.addi %mul3A_2, %mul3A_376 : i32
      %dma_wait3A_378 = arith.constant 3 : i32
      %dma_wait3A_379 = arith.constant 3 : i32
      %dma_wait3A_380 = arith.constant 3 : i32
      %dma_wait3A_381 = arith.constant 0 : i32
      %dma_wait3A_382 = arith.constant 0 : i32
      %dma_wait3A_383 = tpu.memref_slice %arg6[%dma_wait3A_379, %dma_wait3A_381, %dma_wait3A_382] : memref<4x16x1024xf32, #tpu.memory_space<vmem>> -> memref<1x16x1024xf32, #tpu.memory_space<vmem>>
      %dma_wait3A_384 = tpu.memref_squeeze %dma_wait3A_383 : memref<1x16x1024xf32, #tpu.memory_space<vmem>> -> memref<16x1024xf32, #tpu.memory_space<vmem>>
      %dma_wait3A_385 = arith.constant 0 : i32
      %dma_wait3A_386 = tpu.memref_slice %arg2[%dma_wait3A_378, %add3A_377, %dma_wait3A_385] : memref<4x8192x1024xf32, #tpu.memory_space<hbm>> -> memref<1x16x1024xf32, #tpu.memory_space<hbm>>
      %dma_wait3A_387 = tpu.memref_squeeze %dma_wait3A_386 : memref<1x16x1024xf32, #tpu.memory_space<hbm>> -> memref<16x1024xf32, #tpu.memory_space<hbm>>
      %dma_wait3A_388 = tpu.memref_slice %arg7[%dma_wait3A_380] : memref<4x!tpu.dma_semaphore, #tpu.memory_space<semaphore_mem>> -> memref<1x!tpu.dma_semaphore, #tpu.memory_space<semaphore_mem>>
      %dma_wait3A_389 = tpu.memref_squeeze %dma_wait3A_388 : memref<1x!tpu.dma_semaphore, #tpu.memory_space<semaphore_mem>> -> memref<!tpu.dma_semaphore, #tpu.memory_space<semaphore_mem>>
      %dma_wait3A_390 = arith.constant 0 : i32
      %dma_wait3A_391 = arith.constant 0 : i32
      %dma_wait3A_392 = tpu.memref_slice %arg6[%dma_wait3A_379, %dma_wait3A_390, %dma_wait3A_391] : memref<4x16x1024xf32, #tpu.memory_space<vmem>> -> memref<1x16x1024xf32, #tpu.memory_space<vmem>>
      %dma_wait3A_393 = tpu.memref_squeeze %dma_wait3A_392 : memref<1x16x1024xf32, #tpu.memory_space<vmem>> -> memref<16x1024xf32, #tpu.memory_space<vmem>>
      %dma_wait3A_394 = arith.constant 0 : i32
      %dma_wait3A_395 = tpu.memref_slice %arg2[%dma_wait3A_378, %add3A_377, %dma_wait3A_394] : memref<4x8192x1024xf32, #tpu.memory_space<hbm>> -> memref<1x16x1024xf32, #tpu.memory_space<hbm>>
      %dma_wait3A_396 = tpu.memref_squeeze %dma_wait3A_395 : memref<1x16x1024xf32, #tpu.memory_space<hbm>> -> memref<16x1024xf32, #tpu.memory_space<hbm>>
      tpu.wait_dma2 semaphore(%dma_wait3A_389 : memref<!tpu.dma_semaphore, #tpu.memory_space<semaphore_mem>>) src(%dma_wait3A_396 : memref<16x1024xf32, #tpu.memory_space<hbm>>) dst(%dma_wait3A_393 : memref<16x1024xf32, #tpu.memory_space<vmem>>)
      %mul3A_397 = arith.constant 16 : i32
      %mul3A_398 = arith.muli %add3A_114, %mul3A_397 : i32
      %add3A_399 = arith.addi %mul3A_2, %mul3A_398 : i32
      %dma_start3A_400 = arith.constant 3 : i32
      %dma_start3A_401 = arith.constant 3 : i32
      %dma_start3A_402 = arith.constant 3 : i32
      %dma_start3A_403 = arith.constant 0 : i32
      %dma_start3A_404 = arith.constant 0 : i32
      %dma_start3A_405 = tpu.memref_slice %arg6[%dma_start3A_400, %dma_start3A_403, %dma_start3A_404] : memref<4x16x1024xf32, #tpu.memory_space<vmem>> -> memref<1x16x1024xf32, #tpu.memory_space<vmem>>
      %dma_start3A_406 = tpu.memref_squeeze %dma_start3A_405 : memref<1x16x1024xf32, #tpu.memory_space<vmem>> -> memref<16x1024xf32, #tpu.memory_space<vmem>>
      %dma_start3A_407 = arith.constant 0 : i32
      %dma_start3A_408 = tpu.memref_slice %arg4[%dma_start3A_401, %add3A_399, %dma_start3A_407] : memref<4x8192x1024xf32, #tpu.memory_space<hbm>> -> memref<1x16x1024xf32, #tpu.memory_space<hbm>>
      %dma_start3A_409 = tpu.memref_squeeze %dma_start3A_408 : memref<1x16x1024xf32, #tpu.memory_space<hbm>> -> memref<16x1024xf32, #tpu.memory_space<hbm>>
      %dma_start3A_410 = tpu.memref_slice %arg8[%dma_start3A_402] : memref<4x!tpu.dma_semaphore, #tpu.memory_space<semaphore_mem>> -> memref<1x!tpu.dma_semaphore, #tpu.memory_space<semaphore_mem>>
      %dma_start3A_411 = tpu.memref_squeeze %dma_start3A_410 : memref<1x!tpu.dma_semaphore, #tpu.memory_space<semaphore_mem>> -> memref<!tpu.dma_semaphore, #tpu.memory_space<semaphore_mem>>
      %dma_start3A_412 = arith.constant 0 : i32
      %dma_start3A_413 = tpu.memref_slice %arg4[%dma_start3A_401, %add3A_399, %dma_start3A_412] : memref<4x8192x1024xf32, #tpu.memory_space<hbm>> -> memref<1x16x1024xf32, #tpu.memory_space<hbm>>
      %dma_start3A_414 = tpu.memref_squeeze %dma_start3A_413 : memref<1x16x1024xf32, #tpu.memory_space<hbm>> -> memref<16x1024xf32, #tpu.memory_space<hbm>>
      %dma_start3A_415 = arith.constant 0 : i32
      %dma_start3A_416 = arith.constant 0 : i32
      %dma_start3A_417 = tpu.memref_slice %arg6[%dma_start3A_400, %dma_start3A_415, %dma_start3A_416] : memref<4x16x1024xf32, #tpu.memory_space<vmem>> -> memref<1x16x1024xf32, #tpu.memory_space<vmem>>
      %dma_start3A_418 = tpu.memref_squeeze %dma_start3A_417 : memref<1x16x1024xf32, #tpu.memory_space<vmem>> -> memref<16x1024xf32, #tpu.memory_space<vmem>>
      tpu.enqueue_dma source(%dma_start3A_418 : memref<16x1024xf32, #tpu.memory_space<vmem>>) target(%dma_start3A_414 : memref<16x1024xf32, #tpu.memory_space<hbm>>) target_semaphore(%dma_start3A_411 : memref<!tpu.dma_semaphore, #tpu.memory_space<semaphore_mem>>)
      %mul3A_419 = arith.constant 2 : i32
      %mul3A_420 = arith.muli %scan3A_109, %mul3A_419 : i32
      %add3A_421 = arith.constant 1 : i32
      %add3A_422 = arith.addi %mul3A_420, %add3A_421 : i32
      %ge3A_423 = arith.constant 1 : i32
      %ge3A_424 = arith.cmpi sge, %add3A_422, %ge3A_423 : i32
      %convert_element_type3A_425 = arith.extui %ge3A_424 : i1 to i32
      %cond3A_426 = arith.constant 0 : i32
      %cond3A_427 = arith.cmpi ne, %convert_element_type3A_425, %cond3A_426 : i32
      scf.if %cond3A_427 {
        %sub3A = arith.constant 1 : i32
        %sub3A_732 = arith.subi %add3A_422, %sub3A : i32
        %mul3A_733 = arith.constant 16 : i32
        %mul3A_734 = arith.muli %sub3A_732, %mul3A_733 : i32
        %add3A_735 = arith.addi %mul3A_2, %mul3A_734 : i32
        %dma_wait3A_736 = arith.constant 2 : i32
        %dma_wait3A_737 = arith.constant 2 : i32
        %dma_wait3A_738 = arith.constant 2 : i32
        %dma_wait3A_739 = arith.constant 0 : i32
        %dma_wait3A_740 = arith.constant 0 : i32
        %dma_wait3A_741 = tpu.memref_slice %arg6[%dma_wait3A_736, %dma_wait3A_739, %dma_wait3A_740] : memref<4x16x1024xf32, #tpu.memory_space<vmem>> -> memref<1x16x1024xf32, #tpu.memory_space<vmem>>
        %dma_wait3A_742 = tpu.memref_squeeze %dma_wait3A_741 : memref<1x16x1024xf32, #tpu.memory_space<vmem>> -> memref<16x1024xf32, #tpu.memory_space<vmem>>
        %dma_wait3A_743 = arith.constant 0 : i32
        %dma_wait3A_744 = tpu.memref_slice %arg4[%dma_wait3A_737, %add3A_735, %dma_wait3A_743] : memref<4x8192x1024xf32, #tpu.memory_space<hbm>> -> memref<1x16x1024xf32, #tpu.memory_space<hbm>>
        %dma_wait3A_745 = tpu.memref_squeeze %dma_wait3A_744 : memref<1x16x1024xf32, #tpu.memory_space<hbm>> -> memref<16x1024xf32, #tpu.memory_space<hbm>>
        %dma_wait3A_746 = tpu.memref_slice %arg8[%dma_wait3A_738] : memref<4x!tpu.dma_semaphore, #tpu.memory_space<semaphore_mem>> -> memref<1x!tpu.dma_semaphore, #tpu.memory_space<semaphore_mem>>
        %dma_wait3A_747 = tpu.memref_squeeze %dma_wait3A_746 : memref<1x!tpu.dma_semaphore, #tpu.memory_space<semaphore_mem>> -> memref<!tpu.dma_semaphore, #tpu.memory_space<semaphore_mem>>
        %dma_wait3A_748 = arith.constant 0 : i32
        %dma_wait3A_749 = tpu.memref_slice %arg4[%dma_wait3A_737, %add3A_735, %dma_wait3A_748] : memref<4x8192x1024xf32, #tpu.memory_space<hbm>> -> memref<1x16x1024xf32, #tpu.memory_space<hbm>>
        %dma_wait3A_750 = tpu.memref_squeeze %dma_wait3A_749 : memref<1x16x1024xf32, #tpu.memory_space<hbm>> -> memref<16x1024xf32, #tpu.memory_space<hbm>>
        %dma_wait3A_751 = arith.constant 0 : i32
        %dma_wait3A_752 = arith.constant 0 : i32
        %dma_wait3A_753 = tpu.memref_slice %arg6[%dma_wait3A_736, %dma_wait3A_751, %dma_wait3A_752] : memref<4x16x1024xf32, #tpu.memory_space<vmem>> -> memref<1x16x1024xf32, #tpu.memory_space<vmem>>
        %dma_wait3A_754 = tpu.memref_squeeze %dma_wait3A_753 : memref<1x16x1024xf32, #tpu.memory_space<vmem>> -> memref<16x1024xf32, #tpu.memory_space<vmem>>
        tpu.wait_dma2 semaphore(%dma_wait3A_747 : memref<!tpu.dma_semaphore, #tpu.memory_space<semaphore_mem>>) src(%dma_wait3A_754 : memref<16x1024xf32, #tpu.memory_space<vmem>>) dst(%dma_wait3A_750 : memref<16x1024xf32, #tpu.memory_space<hbm>>)
      } else {
      }
      %mul3A_428 = arith.constant 16 : i32
      %mul3A_429 = arith.muli %add3A_422, %mul3A_428 : i32
      %add3A_430 = arith.addi %mul3A_2, %mul3A_429 : i32
      %dma_start3A_431 = arith.constant 2 : i32
      %dma_start3A_432 = arith.constant 2 : i32
      %dma_start3A_433 = arith.constant 2 : i32
      %dma_start3A_434 = arith.constant 0 : i32
      %dma_start3A_435 = arith.constant 0 : i32
      %dma_start3A_436 = tpu.memref_slice %arg6[%dma_start3A_432, %dma_start3A_434, %dma_start3A_435] : memref<4x16x1024xf32, #tpu.memory_space<vmem>> -> memref<1x16x1024xf32, #tpu.memory_space<vmem>>
      %dma_start3A_437 = tpu.memref_squeeze %dma_start3A_436 : memref<1x16x1024xf32, #tpu.memory_space<vmem>> -> memref<16x1024xf32, #tpu.memory_space<vmem>>
      %dma_start3A_438 = arith.constant 0 : i32
      %dma_start3A_439 = tpu.memref_slice %arg2[%dma_start3A_431, %add3A_430, %dma_start3A_438] : memref<4x8192x1024xf32, #tpu.memory_space<hbm>> -> memref<1x16x1024xf32, #tpu.memory_space<hbm>>
      %dma_start3A_440 = tpu.memref_squeeze %dma_start3A_439 : memref<1x16x1024xf32, #tpu.memory_space<hbm>> -> memref<16x1024xf32, #tpu.memory_space<hbm>>
      %dma_start3A_441 = tpu.memref_slice %arg7[%dma_start3A_433] : memref<4x!tpu.dma_semaphore, #tpu.memory_space<semaphore_mem>> -> memref<1x!tpu.dma_semaphore, #tpu.memory_space<semaphore_mem>>
      %dma_start3A_442 = tpu.memref_squeeze %dma_start3A_441 : memref<1x!tpu.dma_semaphore, #tpu.memory_space<semaphore_mem>> -> memref<!tpu.dma_semaphore, #tpu.memory_space<semaphore_mem>>
      %dma_start3A_443 = arith.constant 0 : i32
      %dma_start3A_444 = arith.constant 0 : i32
      %dma_start3A_445 = tpu.memref_slice %arg6[%dma_start3A_432, %dma_start3A_443, %dma_start3A_444] : memref<4x16x1024xf32, #tpu.memory_space<vmem>> -> memref<1x16x1024xf32, #tpu.memory_space<vmem>>
      %dma_start3A_446 = tpu.memref_squeeze %dma_start3A_445 : memref<1x16x1024xf32, #tpu.memory_space<vmem>> -> memref<16x1024xf32, #tpu.memory_space<vmem>>
      %dma_start3A_447 = arith.constant 0 : i32
      %dma_start3A_448 = tpu.memref_slice %arg2[%dma_start3A_431, %add3A_430, %dma_start3A_447] : memref<4x8192x1024xf32, #tpu.memory_space<hbm>> -> memref<1x16x1024xf32, #tpu.memory_space<hbm>>
      %dma_start3A_449 = tpu.memref_squeeze %dma_start3A_448 : memref<1x16x1024xf32, #tpu.memory_space<hbm>> -> memref<16x1024xf32, #tpu.memory_space<hbm>>
      tpu.enqueue_dma source(%dma_start3A_449 : memref<16x1024xf32, #tpu.memory_space<hbm>>) target(%dma_start3A_446 : memref<16x1024xf32, #tpu.memory_space<vmem>>) target_semaphore(%dma_start3A_442 : memref<!tpu.dma_semaphore, #tpu.memory_space<semaphore_mem>>)
      %mul3A_450 = arith.constant 16 : i32
      %mul3A_451 = arith.muli %add3A_422, %mul3A_450 : i32
      %add3A_452 = arith.addi %mul3A_2, %mul3A_451 : i32
      %dma_wait3A_453 = arith.constant 1 : i32
      %dma_wait3A_454 = arith.constant 1 : i32
      %dma_wait3A_455 = arith.constant 0 : i32
      %dma_wait3A_456 = arith.constant 0 : i32
      %dma_wait3A_457 = tpu.memref_slice %arg5[%dma_wait3A_453, %dma_wait3A_455, %dma_wait3A_456] : memref<2x16x1024xf32, #tpu.memory_space<vmem>> -> memref<1x16x1024xf32, #tpu.memory_space<vmem>>
      %dma_wait3A_458 = tpu.memref_squeeze %dma_wait3A_457 : memref<1x16x1024xf32, #tpu.memory_space<vmem>> -> memref<16x1024xf32, #tpu.memory_space<vmem>>
      %dma_wait3A_459 = arith.constant 0 : i32
      %dma_wait3A_460 = tpu.memref_slice %arg3[%add3A_452, %dma_wait3A_459] : memref<8192x1024xf32, #tpu.memory_space<hbm>> -> memref<16x1024xf32, #tpu.memory_space<hbm>>
      %dma_wait3A_461 = tpu.memref_slice %arg9[%dma_wait3A_454] : memref<2x!tpu.dma_semaphore, #tpu.memory_space<semaphore_mem>> -> memref<1x!tpu.dma_semaphore, #tpu.memory_space<semaphore_mem>>
      %dma_wait3A_462 = tpu.memref_squeeze %dma_wait3A_461 : memref<1x!tpu.dma_semaphore, #tpu.memory_space<semaphore_mem>> -> memref<!tpu.dma_semaphore, #tpu.memory_space<semaphore_mem>>
      %dma_wait3A_463 = arith.constant 0 : i32
      %dma_wait3A_464 = arith.constant 0 : i32
      %dma_wait3A_465 = tpu.memref_slice %arg5[%dma_wait3A_453, %dma_wait3A_463, %dma_wait3A_464] : memref<2x16x1024xf32, #tpu.memory_space<vmem>> -> memref<1x16x1024xf32, #tpu.memory_space<vmem>>
      %dma_wait3A_466 = tpu.memref_squeeze %dma_wait3A_465 : memref<1x16x1024xf32, #tpu.memory_space<vmem>> -> memref<16x1024xf32, #tpu.memory_space<vmem>>
      %dma_wait3A_467 = arith.constant 0 : i32
      %dma_wait3A_468 = tpu.memref_slice %arg3[%add3A_452, %dma_wait3A_467] : memref<8192x1024xf32, #tpu.memory_space<hbm>> -> memref<16x1024xf32, #tpu.memory_space<hbm>>
      tpu.wait_dma2 semaphore(%dma_wait3A_462 : memref<!tpu.dma_semaphore, #tpu.memory_space<semaphore_mem>>) src(%dma_wait3A_468 : memref<16x1024xf32, #tpu.memory_space<hbm>>) dst(%dma_wait3A_466 : memref<16x1024xf32, #tpu.memory_space<vmem>>)
      %lt3A_469 = arith.constant 15 : i32
      %lt3A_470 = arith.cmpi slt, %add3A_422, %lt3A_469 : i32
      %convert_element_type3A_471 = arith.extui %lt3A_470 : i1 to i32
      %cond3A_472 = arith.constant 0 : i32
      %cond3A_473 = arith.cmpi ne, %convert_element_type3A_471, %cond3A_472 : i32
      scf.if %cond3A_473 {
        %add3A_732 = arith.constant 1 : i32
        %add3A_733 = arith.addi %add3A_422, %add3A_732 : i32
        %mul3A_734 = arith.constant 16 : i32
        %mul3A_735 = arith.muli %add3A_733, %mul3A_734 : i32
        %add3A_736 = arith.addi %mul3A_2, %mul3A_735 : i32
        %dma_start3A_737 = arith.constant 0 : i32
        %dma_start3A_738 = arith.constant 0 : i32
        %dma_start3A_739 = arith.constant 0 : i32
        %dma_start3A_740 = arith.constant 0 : i32
        %dma_start3A_741 = tpu.memref_slice %arg5[%dma_start3A_737, %dma_start3A_739, %dma_start3A_740] : memref<2x16x1024xf32, #tpu.memory_space<vmem>> -> memref<1x16x1024xf32, #tpu.memory_space<vmem>>
        %dma_start3A_742 = tpu.memref_squeeze %dma_start3A_741 : memref<1x16x1024xf32, #tpu.memory_space<vmem>> -> memref<16x1024xf32, #tpu.memory_space<vmem>>
        %dma_start3A_743 = arith.constant 0 : i32
        %dma_start3A_744 = tpu.memref_slice %arg3[%add3A_736, %dma_start3A_743] : memref<8192x1024xf32, #tpu.memory_space<hbm>> -> memref<16x1024xf32, #tpu.memory_space<hbm>>
        %dma_start3A_745 = tpu.memref_slice %arg9[%dma_start3A_738] : memref<2x!tpu.dma_semaphore, #tpu.memory_space<semaphore_mem>> -> memref<1x!tpu.dma_semaphore, #tpu.memory_space<semaphore_mem>>
        %dma_start3A_746 = tpu.memref_squeeze %dma_start3A_745 : memref<1x!tpu.dma_semaphore, #tpu.memory_space<semaphore_mem>> -> memref<!tpu.dma_semaphore, #tpu.memory_space<semaphore_mem>>
        %dma_start3A_747 = arith.constant 0 : i32
        %dma_start3A_748 = arith.constant 0 : i32
        %dma_start3A_749 = tpu.memref_slice %arg5[%dma_start3A_737, %dma_start3A_747, %dma_start3A_748] : memref<2x16x1024xf32, #tpu.memory_space<vmem>> -> memref<1x16x1024xf32, #tpu.memory_space<vmem>>
        %dma_start3A_750 = tpu.memref_squeeze %dma_start3A_749 : memref<1x16x1024xf32, #tpu.memory_space<vmem>> -> memref<16x1024xf32, #tpu.memory_space<vmem>>
        %dma_start3A_751 = arith.constant 0 : i32
        %dma_start3A_752 = tpu.memref_slice %arg3[%add3A_736, %dma_start3A_751] : memref<8192x1024xf32, #tpu.memory_space<hbm>> -> memref<16x1024xf32, #tpu.memory_space<hbm>>
        tpu.enqueue_dma source(%dma_start3A_752 : memref<16x1024xf32, #tpu.memory_space<hbm>>) target(%dma_start3A_750 : memref<16x1024xf32, #tpu.memory_space<vmem>>) target_semaphore(%dma_start3A_746 : memref<!tpu.dma_semaphore, #tpu.memory_space<semaphore_mem>>)
      } else {
      }
      %mul3A_474 = arith.constant 16 : i32
      %mul3A_475 = arith.muli %add3A_422, %mul3A_474 : i32
      %add3A_476 = arith.addi %mul3A_2, %mul3A_475 : i32
      %dma_wait3A_477 = arith.constant 0 : i32
      %dma_wait3A_478 = arith.constant 0 : i32
      %dma_wait3A_479 = arith.constant 0 : i32
      %dma_wait3A_480 = arith.constant 0 : i32
      %dma_wait3A_481 = arith.constant 0 : i32
      %dma_wait3A_482 = tpu.memref_slice %arg6[%dma_wait3A_478, %dma_wait3A_480, %dma_wait3A_481] : memref<4x16x1024xf32, #tpu.memory_space<vmem>> -> memref<1x16x1024xf32, #tpu.memory_space<vmem>>
      %dma_wait3A_483 = tpu.memref_squeeze %dma_wait3A_482 : memref<1x16x1024xf32, #tpu.memory_space<vmem>> -> memref<16x1024xf32, #tpu.memory_space<vmem>>
      %dma_wait3A_484 = arith.constant 0 : i32
      %dma_wait3A_485 = tpu.memref_slice %arg2[%dma_wait3A_477, %add3A_476, %dma_wait3A_484] : memref<4x8192x1024xf32, #tpu.memory_space<hbm>> -> memref<1x16x1024xf32, #tpu.memory_space<hbm>>
      %dma_wait3A_486 = tpu.memref_squeeze %dma_wait3A_485 : memref<1x16x1024xf32, #tpu.memory_space<hbm>> -> memref<16x1024xf32, #tpu.memory_space<hbm>>
      %dma_wait3A_487 = tpu.memref_slice %arg7[%dma_wait3A_479] : memref<4x!tpu.dma_semaphore, #tpu.memory_space<semaphore_mem>> -> memref<1x!tpu.dma_semaphore, #tpu.memory_space<semaphore_mem>>
      %dma_wait3A_488 = tpu.memref_squeeze %dma_wait3A_487 : memref<1x!tpu.dma_semaphore, #tpu.memory_space<semaphore_mem>> -> memref<!tpu.dma_semaphore, #tpu.memory_space<semaphore_mem>>
      %dma_wait3A_489 = arith.constant 0 : i32
      %dma_wait3A_490 = arith.constant 0 : i32
      %dma_wait3A_491 = tpu.memref_slice %arg6[%dma_wait3A_478, %dma_wait3A_489, %dma_wait3A_490] : memref<4x16x1024xf32, #tpu.memory_space<vmem>> -> memref<1x16x1024xf32, #tpu.memory_space<vmem>>
      %dma_wait3A_492 = tpu.memref_squeeze %dma_wait3A_491 : memref<1x16x1024xf32, #tpu.memory_space<vmem>> -> memref<16x1024xf32, #tpu.memory_space<vmem>>
      %dma_wait3A_493 = arith.constant 0 : i32
      %dma_wait3A_494 = tpu.memref_slice %arg2[%dma_wait3A_477, %add3A_476, %dma_wait3A_493] : memref<4x8192x1024xf32, #tpu.memory_space<hbm>> -> memref<1x16x1024xf32, #tpu.memory_space<hbm>>
      %dma_wait3A_495 = tpu.memref_squeeze %dma_wait3A_494 : memref<1x16x1024xf32, #tpu.memory_space<hbm>> -> memref<16x1024xf32, #tpu.memory_space<hbm>>
      tpu.wait_dma2 semaphore(%dma_wait3A_488 : memref<!tpu.dma_semaphore, #tpu.memory_space<semaphore_mem>>) src(%dma_wait3A_495 : memref<16x1024xf32, #tpu.memory_space<hbm>>) dst(%dma_wait3A_492 : memref<16x1024xf32, #tpu.memory_space<vmem>>)
      %mul3A_496 = arith.constant 16 : i32
      %mul3A_497 = arith.muli %add3A_422, %mul3A_496 : i32
      %add3A_498 = arith.addi %mul3A_2, %mul3A_497 : i32
      %dma_start3A_499 = arith.constant 0 : i32
      %dma_start3A_500 = arith.constant 0 : i32
      %dma_start3A_501 = arith.constant 0 : i32
      %dma_start3A_502 = arith.constant 0 : i32
      %dma_start3A_503 = arith.constant 0 : i32
      %dma_start3A_504 = tpu.memref_slice %arg6[%dma_start3A_499, %dma_start3A_502, %dma_start3A_503] : memref<4x16x1024xf32, #tpu.memory_space<vmem>> -> memref<1x16x1024xf32, #tpu.memory_space<vmem>>
      %dma_start3A_505 = tpu.memref_squeeze %dma_start3A_504 : memref<1x16x1024xf32, #tpu.memory_space<vmem>> -> memref<16x1024xf32, #tpu.memory_space<vmem>>
      %dma_start3A_506 = arith.constant 0 : i32
      %dma_start3A_507 = tpu.memref_slice %arg4[%dma_start3A_500, %add3A_498, %dma_start3A_506] : memref<4x8192x1024xf32, #tpu.memory_space<hbm>> -> memref<1x16x1024xf32, #tpu.memory_space<hbm>>
      %dma_start3A_508 = tpu.memref_squeeze %dma_start3A_507 : memref<1x16x1024xf32, #tpu.memory_space<hbm>> -> memref<16x1024xf32, #tpu.memory_space<hbm>>
      %dma_start3A_509 = tpu.memref_slice %arg8[%dma_start3A_501] : memref<4x!tpu.dma_semaphore, #tpu.memory_space<semaphore_mem>> -> memref<1x!tpu.dma_semaphore, #tpu.memory_space<semaphore_mem>>
      %dma_start3A_510 = tpu.memref_squeeze %dma_start3A_509 : memref<1x!tpu.dma_semaphore, #tpu.memory_space<semaphore_mem>> -> memref<!tpu.dma_semaphore, #tpu.memory_space<semaphore_mem>>
      %dma_start3A_511 = arith.constant 0 : i32
      %dma_start3A_512 = tpu.memref_slice %arg4[%dma_start3A_500, %add3A_498, %dma_start3A_511] : memref<4x8192x1024xf32, #tpu.memory_space<hbm>> -> memref<1x16x1024xf32, #tpu.memory_space<hbm>>
      %dma_start3A_513 = tpu.memref_squeeze %dma_start3A_512 : memref<1x16x1024xf32, #tpu.memory_space<hbm>> -> memref<16x1024xf32, #tpu.memory_space<hbm>>
      %dma_start3A_514 = arith.constant 0 : i32
      %dma_start3A_515 = arith.constant 0 : i32
      %dma_start3A_516 = tpu.memref_slice %arg6[%dma_start3A_499, %dma_start3A_514, %dma_start3A_515] : memref<4x16x1024xf32, #tpu.memory_space<vmem>> -> memref<1x16x1024xf32, #tpu.memory_space<vmem>>
      %dma_start3A_517 = tpu.memref_squeeze %dma_start3A_516 : memref<1x16x1024xf32, #tpu.memory_space<vmem>> -> memref<16x1024xf32, #tpu.memory_space<vmem>>
      tpu.enqueue_dma source(%dma_start3A_517 : memref<16x1024xf32, #tpu.memory_space<vmem>>) target(%dma_start3A_513 : memref<16x1024xf32, #tpu.memory_space<hbm>>) target_semaphore(%dma_start3A_510 : memref<!tpu.dma_semaphore, #tpu.memory_space<semaphore_mem>>)
      %ge3A_518 = arith.constant 1 : i32
      %ge3A_519 = arith.cmpi sge, %add3A_422, %ge3A_518 : i32
      %convert_element_type3A_520 = arith.extui %ge3A_519 : i1 to i32
      %cond3A_521 = arith.constant 0 : i32
      %cond3A_522 = arith.cmpi ne, %convert_element_type3A_520, %cond3A_521 : i32
      scf.if %cond3A_522 {
        %sub3A = arith.constant 1 : i32
        %sub3A_732 = arith.subi %add3A_422, %sub3A : i32
        %mul3A_733 = arith.constant 16 : i32
        %mul3A_734 = arith.muli %sub3A_732, %mul3A_733 : i32
        %add3A_735 = arith.addi %mul3A_2, %mul3A_734 : i32
        %dma_wait3A_736 = arith.constant 3 : i32
        %dma_wait3A_737 = arith.constant 3 : i32
        %dma_wait3A_738 = arith.constant 3 : i32
        %dma_wait3A_739 = arith.constant 0 : i32
        %dma_wait3A_740 = arith.constant 0 : i32
        %dma_wait3A_741 = tpu.memref_slice %arg6[%dma_wait3A_736, %dma_wait3A_739, %dma_wait3A_740] : memref<4x16x1024xf32, #tpu.memory_space<vmem>> -> memref<1x16x1024xf32, #tpu.memory_space<vmem>>
        %dma_wait3A_742 = tpu.memref_squeeze %dma_wait3A_741 : memref<1x16x1024xf32, #tpu.memory_space<vmem>> -> memref<16x1024xf32, #tpu.memory_space<vmem>>
        %dma_wait3A_743 = arith.constant 0 : i32
        %dma_wait3A_744 = tpu.memref_slice %arg4[%dma_wait3A_737, %add3A_735, %dma_wait3A_743] : memref<4x8192x1024xf32, #tpu.memory_space<hbm>> -> memref<1x16x1024xf32, #tpu.memory_space<hbm>>
        %dma_wait3A_745 = tpu.memref_squeeze %dma_wait3A_744 : memref<1x16x1024xf32, #tpu.memory_space<hbm>> -> memref<16x1024xf32, #tpu.memory_space<hbm>>
        %dma_wait3A_746 = tpu.memref_slice %arg8[%dma_wait3A_738] : memref<4x!tpu.dma_semaphore, #tpu.memory_space<semaphore_mem>> -> memref<1x!tpu.dma_semaphore, #tpu.memory_space<semaphore_mem>>
        %dma_wait3A_747 = tpu.memref_squeeze %dma_wait3A_746 : memref<1x!tpu.dma_semaphore, #tpu.memory_space<semaphore_mem>> -> memref<!tpu.dma_semaphore, #tpu.memory_space<semaphore_mem>>
        %dma_wait3A_748 = arith.constant 0 : i32
        %dma_wait3A_749 = tpu.memref_slice %arg4[%dma_wait3A_737, %add3A_735, %dma_wait3A_748] : memref<4x8192x1024xf32, #tpu.memory_space<hbm>> -> memref<1x16x1024xf32, #tpu.memory_space<hbm>>
        %dma_wait3A_750 = tpu.memref_squeeze %dma_wait3A_749 : memref<1x16x1024xf32, #tpu.memory_space<hbm>> -> memref<16x1024xf32, #tpu.memory_space<hbm>>
        %dma_wait3A_751 = arith.constant 0 : i32
        %dma_wait3A_752 = arith.constant 0 : i32
        %dma_wait3A_753 = tpu.memref_slice %arg6[%dma_wait3A_736, %dma_wait3A_751, %dma_wait3A_752] : memref<4x16x1024xf32, #tpu.memory_space<vmem>> -> memref<1x16x1024xf32, #tpu.memory_space<vmem>>
        %dma_wait3A_754 = tpu.memref_squeeze %dma_wait3A_753 : memref<1x16x1024xf32, #tpu.memory_space<vmem>> -> memref<16x1024xf32, #tpu.memory_space<vmem>>
        tpu.wait_dma2 semaphore(%dma_wait3A_747 : memref<!tpu.dma_semaphore, #tpu.memory_space<semaphore_mem>>) src(%dma_wait3A_754 : memref<16x1024xf32, #tpu.memory_space<vmem>>) dst(%dma_wait3A_750 : memref<16x1024xf32, #tpu.memory_space<hbm>>)
      } else {
      }
      %mul3A_523 = arith.constant 16 : i32
      %mul3A_524 = arith.muli %add3A_422, %mul3A_523 : i32
      %add3A_525 = arith.addi %mul3A_2, %mul3A_524 : i32
      %dma_start3A_526 = arith.constant 3 : i32
      %dma_start3A_527 = arith.constant 3 : i32
      %dma_start3A_528 = arith.constant 3 : i32
      %dma_start3A_529 = arith.constant 0 : i32
      %dma_start3A_530 = arith.constant 0 : i32
      %dma_start3A_531 = tpu.memref_slice %arg6[%dma_start3A_527, %dma_start3A_529, %dma_start3A_530] : memref<4x16x1024xf32, #tpu.memory_space<vmem>> -> memref<1x16x1024xf32, #tpu.memory_space<vmem>>
      %dma_start3A_532 = tpu.memref_squeeze %dma_start3A_531 : memref<1x16x1024xf32, #tpu.memory_space<vmem>> -> memref<16x1024xf32, #tpu.memory_space<vmem>>
      %dma_start3A_533 = arith.constant 0 : i32
      %dma_start3A_534 = tpu.memref_slice %arg2[%dma_start3A_526, %add3A_525, %dma_start3A_533] : memref<4x8192x1024xf32, #tpu.memory_space<hbm>> -> memref<1x16x1024xf32, #tpu.memory_space<hbm>>
      %dma_start3A_535 = tpu.memref_squeeze %dma_start3A_534 : memref<1x16x1024xf32, #tpu.memory_space<hbm>> -> memref<16x1024xf32, #tpu.memory_space<hbm>>
      %dma_start3A_536 = tpu.memref_slice %arg7[%dma_start3A_528] : memref<4x!tpu.dma_semaphore, #tpu.memory_space<semaphore_mem>> -> memref<1x!tpu.dma_semaphore, #tpu.memory_space<semaphore_mem>>
      %dma_start3A_537 = tpu.memref_squeeze %dma_start3A_536 : memref<1x!tpu.dma_semaphore, #tpu.memory_space<semaphore_mem>> -> memref<!tpu.dma_semaphore, #tpu.memory_space<semaphore_mem>>
      %dma_start3A_538 = arith.constant 0 : i32
      %dma_start3A_539 = arith.constant 0 : i32
      %dma_start3A_540 = tpu.memref_slice %arg6[%dma_start3A_527, %dma_start3A_538, %dma_start3A_539] : memref<4x16x1024xf32, #tpu.memory_space<vmem>> -> memref<1x16x1024xf32, #tpu.memory_space<vmem>>
      %dma_start3A_541 = tpu.memref_squeeze %dma_start3A_540 : memref<1x16x1024xf32, #tpu.memory_space<vmem>> -> memref<16x1024xf32, #tpu.memory_space<vmem>>
      %dma_start3A_542 = arith.constant 0 : i32
      %dma_start3A_543 = tpu.memref_slice %arg2[%dma_start3A_526, %add3A_525, %dma_start3A_542] : memref<4x8192x1024xf32, #tpu.memory_space<hbm>> -> memref<1x16x1024xf32, #tpu.memory_space<hbm>>
      %dma_start3A_544 = tpu.memref_squeeze %dma_start3A_543 : memref<1x16x1024xf32, #tpu.memory_space<hbm>> -> memref<16x1024xf32, #tpu.memory_space<hbm>>
      tpu.enqueue_dma source(%dma_start3A_544 : memref<16x1024xf32, #tpu.memory_space<hbm>>) target(%dma_start3A_541 : memref<16x1024xf32, #tpu.memory_space<vmem>>) target_semaphore(%dma_start3A_537 : memref<!tpu.dma_semaphore, #tpu.memory_space<semaphore_mem>>)
      %mul3A_545 = arith.constant 16 : i32
      %mul3A_546 = arith.muli %add3A_422, %mul3A_545 : i32
      %add3A_547 = arith.addi %mul3A_2, %mul3A_546 : i32
      %dma_wait3A_548 = arith.constant 1 : i32
      %dma_wait3A_549 = arith.constant 1 : i32
      %dma_wait3A_550 = arith.constant 1 : i32
      %dma_wait3A_551 = arith.constant 0 : i32
      %dma_wait3A_552 = arith.constant 0 : i32
      %dma_wait3A_553 = tpu.memref_slice %arg6[%dma_wait3A_549, %dma_wait3A_551, %dma_wait3A_552] : memref<4x16x1024xf32, #tpu.memory_space<vmem>> -> memref<1x16x1024xf32, #tpu.memory_space<vmem>>
      %dma_wait3A_554 = tpu.memref_squeeze %dma_wait3A_553 : memref<1x16x1024xf32, #tpu.memory_space<vmem>> -> memref<16x1024xf32, #tpu.memory_space<vmem>>
      %dma_wait3A_555 = arith.constant 0 : i32
      %dma_wait3A_556 = tpu.memref_slice %arg2[%dma_wait3A_548, %add3A_547, %dma_wait3A_555] : memref<4x8192x1024xf32, #tpu.memory_space<hbm>> -> memref<1x16x1024xf32, #tpu.memory_space<hbm>>
      %dma_wait3A_557 = tpu.memref_squeeze %dma_wait3A_556 : memref<1x16x1024xf32, #tpu.memory_space<hbm>> -> memref<16x1024xf32, #tpu.memory_space<hbm>>
      %dma_wait3A_558 = tpu.memref_slice %arg7[%dma_wait3A_550] : memref<4x!tpu.dma_semaphore, #tpu.memory_space<semaphore_mem>> -> memref<1x!tpu.dma_semaphore, #tpu.memory_space<semaphore_mem>>
      %dma_wait3A_559 = tpu.memref_squeeze %dma_wait3A_558 : memref<1x!tpu.dma_semaphore, #tpu.memory_space<semaphore_mem>> -> memref<!tpu.dma_semaphore, #tpu.memory_space<semaphore_mem>>
      %dma_wait3A_560 = arith.constant 0 : i32
      %dma_wait3A_561 = arith.constant 0 : i32
      %dma_wait3A_562 = tpu.memref_slice %arg6[%dma_wait3A_549, %dma_wait3A_560, %dma_wait3A_561] : memref<4x16x1024xf32, #tpu.memory_space<vmem>> -> memref<1x16x1024xf32, #tpu.memory_space<vmem>>
      %dma_wait3A_563 = tpu.memref_squeeze %dma_wait3A_562 : memref<1x16x1024xf32, #tpu.memory_space<vmem>> -> memref<16x1024xf32, #tpu.memory_space<vmem>>
      %dma_wait3A_564 = arith.constant 0 : i32
      %dma_wait3A_565 = tpu.memref_slice %arg2[%dma_wait3A_548, %add3A_547, %dma_wait3A_564] : memref<4x8192x1024xf32, #tpu.memory_space<hbm>> -> memref<1x16x1024xf32, #tpu.memory_space<hbm>>
      %dma_wait3A_566 = tpu.memref_squeeze %dma_wait3A_565 : memref<1x16x1024xf32, #tpu.memory_space<hbm>> -> memref<16x1024xf32, #tpu.memory_space<hbm>>
      tpu.wait_dma2 semaphore(%dma_wait3A_559 : memref<!tpu.dma_semaphore, #tpu.memory_space<semaphore_mem>>) src(%dma_wait3A_566 : memref<16x1024xf32, #tpu.memory_space<hbm>>) dst(%dma_wait3A_563 : memref<16x1024xf32, #tpu.memory_space<vmem>>)
      %mul3A_567 = arith.constant 16 : i32
      %mul3A_568 = arith.muli %add3A_422, %mul3A_567 : i32
      %add3A_569 = arith.addi %mul3A_2, %mul3A_568 : i32
      %dma_start3A_570 = arith.constant 1 : i32
      %dma_start3A_571 = arith.constant 1 : i32
      %dma_start3A_572 = arith.constant 1 : i32
      %dma_start3A_573 = arith.constant 0 : i32
      %dma_start3A_574 = arith.constant 0 : i32
      %dma_start3A_575 = tpu.memref_slice %arg6[%dma_start3A_570, %dma_start3A_573, %dma_start3A_574] : memref<4x16x1024xf32, #tpu.memory_space<vmem>> -> memref<1x16x1024xf32, #tpu.memory_space<vmem>>
      %dma_start3A_576 = tpu.memref_squeeze %dma_start3A_575 : memref<1x16x1024xf32, #tpu.memory_space<vmem>> -> memref<16x1024xf32, #tpu.memory_space<vmem>>
      %dma_start3A_577 = arith.constant 0 : i32
      %dma_start3A_578 = tpu.memref_slice %arg4[%dma_start3A_571, %add3A_569, %dma_start3A_577] : memref<4x8192x1024xf32, #tpu.memory_space<hbm>> -> memref<1x16x1024xf32, #tpu.memory_space<hbm>>
      %dma_start3A_579 = tpu.memref_squeeze %dma_start3A_578 : memref<1x16x1024xf32, #tpu.memory_space<hbm>> -> memref<16x1024xf32, #tpu.memory_space<hbm>>
      %dma_start3A_580 = tpu.memref_slice %arg8[%dma_start3A_572] : memref<4x!tpu.dma_semaphore, #tpu.memory_space<semaphore_mem>> -> memref<1x!tpu.dma_semaphore, #tpu.memory_space<semaphore_mem>>
      %dma_start3A_581 = tpu.memref_squeeze %dma_start3A_580 : memref<1x!tpu.dma_semaphore, #tpu.memory_space<semaphore_mem>> -> memref<!tpu.dma_semaphore, #tpu.memory_space<semaphore_mem>>
      %dma_start3A_582 = arith.constant 0 : i32
      %dma_start3A_583 = tpu.memref_slice %arg4[%dma_start3A_571, %add3A_569, %dma_start3A_582] : memref<4x8192x1024xf32, #tpu.memory_space<hbm>> -> memref<1x16x1024xf32, #tpu.memory_space<hbm>>
      %dma_start3A_584 = tpu.memref_squeeze %dma_start3A_583 : memref<1x16x1024xf32, #tpu.memory_space<hbm>> -> memref<16x1024xf32, #tpu.memory_space<hbm>>
      %dma_start3A_585 = arith.constant 0 : i32
      %dma_start3A_586 = arith.constant 0 : i32
      %dma_start3A_587 = tpu.memref_slice %arg6[%dma_start3A_570, %dma_start3A_585, %dma_start3A_586] : memref<4x16x1024xf32, #tpu.memory_space<vmem>> -> memref<1x16x1024xf32, #tpu.memory_space<vmem>>
      %dma_start3A_588 = tpu.memref_squeeze %dma_start3A_587 : memref<1x16x1024xf32, #tpu.memory_space<vmem>> -> memref<16x1024xf32, #tpu.memory_space<vmem>>
      tpu.enqueue_dma source(%dma_start3A_588 : memref<16x1024xf32, #tpu.memory_space<vmem>>) target(%dma_start3A_584 : memref<16x1024xf32, #tpu.memory_space<hbm>>) target_semaphore(%dma_start3A_581 : memref<!tpu.dma_semaphore, #tpu.memory_space<semaphore_mem>>)
      %mul3A_589 = arith.constant 16 : i32
      %mul3A_590 = arith.muli %add3A_422, %mul3A_589 : i32
      %add3A_591 = arith.addi %mul3A_2, %mul3A_590 : i32
      %dma_wait3A_592 = arith.constant 0 : i32
      %dma_wait3A_593 = arith.constant 0 : i32
      %dma_wait3A_594 = arith.constant 0 : i32
      %dma_wait3A_595 = arith.constant 0 : i32
      %dma_wait3A_596 = arith.constant 0 : i32
      %dma_wait3A_597 = tpu.memref_slice %arg6[%dma_wait3A_592, %dma_wait3A_595, %dma_wait3A_596] : memref<4x16x1024xf32, #tpu.memory_space<vmem>> -> memref<1x16x1024xf32, #tpu.memory_space<vmem>>
      %dma_wait3A_598 = tpu.memref_squeeze %dma_wait3A_597 : memref<1x16x1024xf32, #tpu.memory_space<vmem>> -> memref<16x1024xf32, #tpu.memory_space<vmem>>
      %dma_wait3A_599 = arith.constant 0 : i32
      %dma_wait3A_600 = tpu.memref_slice %arg4[%dma_wait3A_593, %add3A_591, %dma_wait3A_599] : memref<4x8192x1024xf32, #tpu.memory_space<hbm>> -> memref<1x16x1024xf32, #tpu.memory_space<hbm>>
      %dma_wait3A_601 = tpu.memref_squeeze %dma_wait3A_600 : memref<1x16x1024xf32, #tpu.memory_space<hbm>> -> memref<16x1024xf32, #tpu.memory_space<hbm>>
      %dma_wait3A_602 = tpu.memref_slice %arg8[%dma_wait3A_594] : memref<4x!tpu.dma_semaphore, #tpu.memory_space<semaphore_mem>> -> memref<1x!tpu.dma_semaphore, #tpu.memory_space<semaphore_mem>>
      %dma_wait3A_603 = tpu.memref_squeeze %dma_wait3A_602 : memref<1x!tpu.dma_semaphore, #tpu.memory_space<semaphore_mem>> -> memref<!tpu.dma_semaphore, #tpu.memory_space<semaphore_mem>>
      %dma_wait3A_604 = arith.constant 0 : i32
      %dma_wait3A_605 = tpu.memref_slice %arg4[%dma_wait3A_593, %add3A_591, %dma_wait3A_604] : memref<4x8192x1024xf32, #tpu.memory_space<hbm>> -> memref<1x16x1024xf32, #tpu.memory_space<hbm>>
      %dma_wait3A_606 = tpu.memref_squeeze %dma_wait3A_605 : memref<1x16x1024xf32, #tpu.memory_space<hbm>> -> memref<16x1024xf32, #tpu.memory_space<hbm>>
      %dma_wait3A_607 = arith.constant 0 : i32
      %dma_wait3A_608 = arith.constant 0 : i32
      %dma_wait3A_609 = tpu.memref_slice %arg6[%dma_wait3A_592, %dma_wait3A_607, %dma_wait3A_608] : memref<4x16x1024xf32, #tpu.memory_space<vmem>> -> memref<1x16x1024xf32, #tpu.memory_space<vmem>>
      %dma_wait3A_610 = tpu.memref_squeeze %dma_wait3A_609 : memref<1x16x1024xf32, #tpu.memory_space<vmem>> -> memref<16x1024xf32, #tpu.memory_space<vmem>>
      tpu.wait_dma2 semaphore(%dma_wait3A_603 : memref<!tpu.dma_semaphore, #tpu.memory_space<semaphore_mem>>) src(%dma_wait3A_610 : memref<16x1024xf32, #tpu.memory_space<vmem>>) dst(%dma_wait3A_606 : memref<16x1024xf32, #tpu.memory_space<hbm>>)
      %lt3A_611 = arith.constant 15 : i32
      %lt3A_612 = arith.cmpi slt, %add3A_422, %lt3A_611 : i32
      %convert_element_type3A_613 = arith.extui %lt3A_612 : i1 to i32
      %cond3A_614 = arith.constant 0 : i32
      %cond3A_615 = arith.cmpi ne, %convert_element_type3A_613, %cond3A_614 : i32
      scf.if %cond3A_615 {
        %add3A_732 = arith.constant 1 : i32
        %add3A_733 = arith.addi %add3A_422, %add3A_732 : i32
        %mul3A_734 = arith.constant 16 : i32
        %mul3A_735 = arith.muli %add3A_733, %mul3A_734 : i32
        %add3A_736 = arith.addi %mul3A_2, %mul3A_735 : i32
        %dma_start3A_737 = arith.constant 0 : i32
        %dma_start3A_738 = arith.constant 0 : i32
        %dma_start3A_739 = arith.constant 0 : i32
        %dma_start3A_740 = arith.constant 0 : i32
        %dma_start3A_741 = arith.constant 0 : i32
        %dma_start3A_742 = tpu.memref_slice %arg6[%dma_start3A_738, %dma_start3A_740, %dma_start3A_741] : memref<4x16x1024xf32, #tpu.memory_space<vmem>> -> memref<1x16x1024xf32, #tpu.memory_space<vmem>>
        %dma_start3A_743 = tpu.memref_squeeze %dma_start3A_742 : memref<1x16x1024xf32, #tpu.memory_space<vmem>> -> memref<16x1024xf32, #tpu.memory_space<vmem>>
        %dma_start3A_744 = arith.constant 0 : i32
        %dma_start3A_745 = tpu.memref_slice %arg2[%dma_start3A_737, %add3A_736, %dma_start3A_744] : memref<4x8192x1024xf32, #tpu.memory_space<hbm>> -> memref<1x16x1024xf32, #tpu.memory_space<hbm>>
        %dma_start3A_746 = tpu.memref_squeeze %dma_start3A_745 : memref<1x16x1024xf32, #tpu.memory_space<hbm>> -> memref<16x1024xf32, #tpu.memory_space<hbm>>
        %dma_start3A_747 = tpu.memref_slice %arg7[%dma_start3A_739] : memref<4x!tpu.dma_semaphore, #tpu.memory_space<semaphore_mem>> -> memref<1x!tpu.dma_semaphore, #tpu.memory_space<semaphore_mem>>
        %dma_start3A_748 = tpu.memref_squeeze %dma_start3A_747 : memref<1x!tpu.dma_semaphore, #tpu.memory_space<semaphore_mem>> -> memref<!tpu.dma_semaphore, #tpu.memory_space<semaphore_mem>>
        %dma_start3A_749 = arith.constant 0 : i32
        %dma_start3A_750 = arith.constant 0 : i32
        %dma_start3A_751 = tpu.memref_slice %arg6[%dma_start3A_738, %dma_start3A_749, %dma_start3A_750] : memref<4x16x1024xf32, #tpu.memory_space<vmem>> -> memref<1x16x1024xf32, #tpu.memory_space<vmem>>
        %dma_start3A_752 = tpu.memref_squeeze %dma_start3A_751 : memref<1x16x1024xf32, #tpu.memory_space<vmem>> -> memref<16x1024xf32, #tpu.memory_space<vmem>>
        %dma_start3A_753 = arith.constant 0 : i32
        %dma_start3A_754 = tpu.memref_slice %arg2[%dma_start3A_737, %add3A_736, %dma_start3A_753] : memref<4x8192x1024xf32, #tpu.memory_space<hbm>> -> memref<1x16x1024xf32, #tpu.memory_space<hbm>>
        %dma_start3A_755 = tpu.memref_squeeze %dma_start3A_754 : memref<1x16x1024xf32, #tpu.memory_space<hbm>> -> memref<16x1024xf32, #tpu.memory_space<hbm>>
        tpu.enqueue_dma source(%dma_start3A_755 : memref<16x1024xf32, #tpu.memory_space<hbm>>) target(%dma_start3A_752 : memref<16x1024xf32, #tpu.memory_space<vmem>>) target_semaphore(%dma_start3A_748 : memref<!tpu.dma_semaphore, #tpu.memory_space<semaphore_mem>>)
      } else {
      }
      %mul3A_616 = arith.constant 16 : i32
      %mul3A_617 = arith.muli %add3A_422, %mul3A_616 : i32
      %add3A_618 = arith.addi %mul3A_2, %mul3A_617 : i32
      %dma_wait3A_619 = arith.constant 2 : i32
      %dma_wait3A_620 = arith.constant 2 : i32
      %dma_wait3A_621 = arith.constant 2 : i32
      %dma_wait3A_622 = arith.constant 0 : i32
      %dma_wait3A_623 = arith.constant 0 : i32
      %dma_wait3A_624 = tpu.memref_slice %arg6[%dma_wait3A_620, %dma_wait3A_622, %dma_wait3A_623] : memref<4x16x1024xf32, #tpu.memory_space<vmem>> -> memref<1x16x1024xf32, #tpu.memory_space<vmem>>
      %dma_wait3A_625 = tpu.memref_squeeze %dma_wait3A_624 : memref<1x16x1024xf32, #tpu.memory_space<vmem>> -> memref<16x1024xf32, #tpu.memory_space<vmem>>
      %dma_wait3A_626 = arith.constant 0 : i32
      %dma_wait3A_627 = tpu.memref_slice %arg2[%dma_wait3A_619, %add3A_618, %dma_wait3A_626] : memref<4x8192x1024xf32, #tpu.memory_space<hbm>> -> memref<1x16x1024xf32, #tpu.memory_space<hbm>>
      %dma_wait3A_628 = tpu.memref_squeeze %dma_wait3A_627 : memref<1x16x1024xf32, #tpu.memory_space<hbm>> -> memref<16x1024xf32, #tpu.memory_space<hbm>>
      %dma_wait3A_629 = tpu.memref_slice %arg7[%dma_wait3A_621] : memref<4x!tpu.dma_semaphore, #tpu.memory_space<semaphore_mem>> -> memref<1x!tpu.dma_semaphore, #tpu.memory_space<semaphore_mem>>
      %dma_wait3A_630 = tpu.memref_squeeze %dma_wait3A_629 : memref<1x!tpu.dma_semaphore, #tpu.memory_space<semaphore_mem>> -> memref<!tpu.dma_semaphore, #tpu.memory_space<semaphore_mem>>
      %dma_wait3A_631 = arith.constant 0 : i32
      %dma_wait3A_632 = arith.constant 0 : i32
      %dma_wait3A_633 = tpu.memref_slice %arg6[%dma_wait3A_620, %dma_wait3A_631, %dma_wait3A_632] : memref<4x16x1024xf32, #tpu.memory_space<vmem>> -> memref<1x16x1024xf32, #tpu.memory_space<vmem>>
      %dma_wait3A_634 = tpu.memref_squeeze %dma_wait3A_633 : memref<1x16x1024xf32, #tpu.memory_space<vmem>> -> memref<16x1024xf32, #tpu.memory_space<vmem>>
      %dma_wait3A_635 = arith.constant 0 : i32
      %dma_wait3A_636 = tpu.memref_slice %arg2[%dma_wait3A_619, %add3A_618, %dma_wait3A_635] : memref<4x8192x1024xf32, #tpu.memory_space<hbm>> -> memref<1x16x1024xf32, #tpu.memory_space<hbm>>
      %dma_wait3A_637 = tpu.memref_squeeze %dma_wait3A_636 : memref<1x16x1024xf32, #tpu.memory_space<hbm>> -> memref<16x1024xf32, #tpu.memory_space<hbm>>
      tpu.wait_dma2 semaphore(%dma_wait3A_630 : memref<!tpu.dma_semaphore, #tpu.memory_space<semaphore_mem>>) src(%dma_wait3A_637 : memref<16x1024xf32, #tpu.memory_space<hbm>>) dst(%dma_wait3A_634 : memref<16x1024xf32, #tpu.memory_space<vmem>>)
      %mul3A_638 = arith.constant 16 : i32
      %mul3A_639 = arith.muli %add3A_422, %mul3A_638 : i32
      %add3A_640 = arith.addi %mul3A_2, %mul3A_639 : i32
      %dma_start3A_641 = arith.constant 2 : i32
      %dma_start3A_642 = arith.constant 2 : i32
      %dma_start3A_643 = arith.constant 2 : i32
      %dma_start3A_644 = arith.constant 0 : i32
      %dma_start3A_645 = arith.constant 0 : i32
      %dma_start3A_646 = tpu.memref_slice %arg6[%dma_start3A_641, %dma_start3A_644, %dma_start3A_645] : memref<4x16x1024xf32, #tpu.memory_space<vmem>> -> memref<1x16x1024xf32, #tpu.memory_space<vmem>>
      %dma_start3A_647 = tpu.memref_squeeze %dma_start3A_646 : memref<1x16x1024xf32, #tpu.memory_space<vmem>> -> memref<16x1024xf32, #tpu.memory_space<vmem>>
      %dma_start3A_648 = arith.constant 0 : i32
      %dma_start3A_649 = tpu.memref_slice %arg4[%dma_start3A_642, %add3A_640, %dma_start3A_648] : memref<4x8192x1024xf32, #tpu.memory_space<hbm>> -> memref<1x16x1024xf32, #tpu.memory_space<hbm>>
      %dma_start3A_650 = tpu.memref_squeeze %dma_start3A_649 : memref<1x16x1024xf32, #tpu.memory_space<hbm>> -> memref<16x1024xf32, #tpu.memory_space<hbm>>
      %dma_start3A_651 = tpu.memref_slice %arg8[%dma_start3A_643] : memref<4x!tpu.dma_semaphore, #tpu.memory_space<semaphore_mem>> -> memref<1x!tpu.dma_semaphore, #tpu.memory_space<semaphore_mem>>
      %dma_start3A_652 = tpu.memref_squeeze %dma_start3A_651 : memref<1x!tpu.dma_semaphore, #tpu.memory_space<semaphore_mem>> -> memref<!tpu.dma_semaphore, #tpu.memory_space<semaphore_mem>>
      %dma_start3A_653 = arith.constant 0 : i32
      %dma_start3A_654 = tpu.memref_slice %arg4[%dma_start3A_642, %add3A_640, %dma_start3A_653] : memref<4x8192x1024xf32, #tpu.memory_space<hbm>> -> memref<1x16x1024xf32, #tpu.memory_space<hbm>>
      %dma_start3A_655 = tpu.memref_squeeze %dma_start3A_654 : memref<1x16x1024xf32, #tpu.memory_space<hbm>> -> memref<16x1024xf32, #tpu.memory_space<hbm>>
      %dma_start3A_656 = arith.constant 0 : i32
      %dma_start3A_657 = arith.constant 0 : i32
      %dma_start3A_658 = tpu.memref_slice %arg6[%dma_start3A_641, %dma_start3A_656, %dma_start3A_657] : memref<4x16x1024xf32, #tpu.memory_space<vmem>> -> memref<1x16x1024xf32, #tpu.memory_space<vmem>>
      %dma_start3A_659 = tpu.memref_squeeze %dma_start3A_658 : memref<1x16x1024xf32, #tpu.memory_space<vmem>> -> memref<16x1024xf32, #tpu.memory_space<vmem>>
      tpu.enqueue_dma source(%dma_start3A_659 : memref<16x1024xf32, #tpu.memory_space<vmem>>) target(%dma_start3A_655 : memref<16x1024xf32, #tpu.memory_space<hbm>>) target_semaphore(%dma_start3A_652 : memref<!tpu.dma_semaphore, #tpu.memory_space<semaphore_mem>>)
      %mul3A_660 = arith.constant 16 : i32
      %mul3A_661 = arith.muli %add3A_422, %mul3A_660 : i32
      %add3A_662 = arith.addi %mul3A_2, %mul3A_661 : i32
      %dma_wait3A_663 = arith.constant 1 : i32
      %dma_wait3A_664 = arith.constant 1 : i32
      %dma_wait3A_665 = arith.constant 1 : i32
      %dma_wait3A_666 = arith.constant 0 : i32
      %dma_wait3A_667 = arith.constant 0 : i32
      %dma_wait3A_668 = tpu.memref_slice %arg6[%dma_wait3A_663, %dma_wait3A_666, %dma_wait3A_667] : memref<4x16x1024xf32, #tpu.memory_space<vmem>> -> memref<1x16x1024xf32, #tpu.memory_space<vmem>>
      %dma_wait3A_669 = tpu.memref_squeeze %dma_wait3A_668 : memref<1x16x1024xf32, #tpu.memory_space<vmem>> -> memref<16x1024xf32, #tpu.memory_space<vmem>>
      %dma_wait3A_670 = arith.constant 0 : i32
      %dma_wait3A_671 = tpu.memref_slice %arg4[%dma_wait3A_664, %add3A_662, %dma_wait3A_670] : memref<4x8192x1024xf32, #tpu.memory_space<hbm>> -> memref<1x16x1024xf32, #tpu.memory_space<hbm>>
      %dma_wait3A_672 = tpu.memref_squeeze %dma_wait3A_671 : memref<1x16x1024xf32, #tpu.memory_space<hbm>> -> memref<16x1024xf32, #tpu.memory_space<hbm>>
      %dma_wait3A_673 = tpu.memref_slice %arg8[%dma_wait3A_665] : memref<4x!tpu.dma_semaphore, #tpu.memory_space<semaphore_mem>> -> memref<1x!tpu.dma_semaphore, #tpu.memory_space<semaphore_mem>>
      %dma_wait3A_674 = tpu.memref_squeeze %dma_wait3A_673 : memref<1x!tpu.dma_semaphore, #tpu.memory_space<semaphore_mem>> -> memref<!tpu.dma_semaphore, #tpu.memory_space<semaphore_mem>>
      %dma_wait3A_675 = arith.constant 0 : i32
      %dma_wait3A_676 = tpu.memref_slice %arg4[%dma_wait3A_664, %add3A_662, %dma_wait3A_675] : memref<4x8192x1024xf32, #tpu.memory_space<hbm>> -> memref<1x16x1024xf32, #tpu.memory_space<hbm>>
      %dma_wait3A_677 = tpu.memref_squeeze %dma_wait3A_676 : memref<1x16x1024xf32, #tpu.memory_space<hbm>> -> memref<16x1024xf32, #tpu.memory_space<hbm>>
      %dma_wait3A_678 = arith.constant 0 : i32
      %dma_wait3A_679 = arith.constant 0 : i32
      %dma_wait3A_680 = tpu.memref_slice %arg6[%dma_wait3A_663, %dma_wait3A_678, %dma_wait3A_679] : memref<4x16x1024xf32, #tpu.memory_space<vmem>> -> memref<1x16x1024xf32, #tpu.memory_space<vmem>>
      %dma_wait3A_681 = tpu.memref_squeeze %dma_wait3A_680 : memref<1x16x1024xf32, #tpu.memory_space<vmem>> -> memref<16x1024xf32, #tpu.memory_space<vmem>>
      tpu.wait_dma2 semaphore(%dma_wait3A_674 : memref<!tpu.dma_semaphore, #tpu.memory_space<semaphore_mem>>) src(%dma_wait3A_681 : memref<16x1024xf32, #tpu.memory_space<vmem>>) dst(%dma_wait3A_677 : memref<16x1024xf32, #tpu.memory_space<hbm>>)
      %lt3A_682 = arith.constant 15 : i32
      %lt3A_683 = arith.cmpi slt, %add3A_422, %lt3A_682 : i32
      %convert_element_type3A_684 = arith.extui %lt3A_683 : i1 to i32
      %cond3A_685 = arith.constant 0 : i32
      %cond3A_686 = arith.cmpi ne, %convert_element_type3A_684, %cond3A_685 : i32
      scf.if %cond3A_686 {
        %add3A_732 = arith.constant 1 : i32
        %add3A_733 = arith.addi %add3A_422, %add3A_732 : i32
        %mul3A_734 = arith.constant 16 : i32
        %mul3A_735 = arith.muli %add3A_733, %mul3A_734 : i32
        %add3A_736 = arith.addi %mul3A_2, %mul3A_735 : i32
        %dma_start3A_737 = arith.constant 1 : i32
        %dma_start3A_738 = arith.constant 1 : i32
        %dma_start3A_739 = arith.constant 1 : i32
        %dma_start3A_740 = arith.constant 0 : i32
        %dma_start3A_741 = arith.constant 0 : i32
        %dma_start3A_742 = tpu.memref_slice %arg6[%dma_start3A_738, %dma_start3A_740, %dma_start3A_741] : memref<4x16x1024xf32, #tpu.memory_space<vmem>> -> memref<1x16x1024xf32, #tpu.memory_space<vmem>>
        %dma_start3A_743 = tpu.memref_squeeze %dma_start3A_742 : memref<1x16x1024xf32, #tpu.memory_space<vmem>> -> memref<16x1024xf32, #tpu.memory_space<vmem>>
        %dma_start3A_744 = arith.constant 0 : i32
        %dma_start3A_745 = tpu.memref_slice %arg2[%dma_start3A_737, %add3A_736, %dma_start3A_744] : memref<4x8192x1024xf32, #tpu.memory_space<hbm>> -> memref<1x16x1024xf32, #tpu.memory_space<hbm>>
        %dma_start3A_746 = tpu.memref_squeeze %dma_start3A_745 : memref<1x16x1024xf32, #tpu.memory_space<hbm>> -> memref<16x1024xf32, #tpu.memory_space<hbm>>
        %dma_start3A_747 = tpu.memref_slice %arg7[%dma_start3A_739] : memref<4x!tpu.dma_semaphore, #tpu.memory_space<semaphore_mem>> -> memref<1x!tpu.dma_semaphore, #tpu.memory_space<semaphore_mem>>
        %dma_start3A_748 = tpu.memref_squeeze %dma_start3A_747 : memref<1x!tpu.dma_semaphore, #tpu.memory_space<semaphore_mem>> -> memref<!tpu.dma_semaphore, #tpu.memory_space<semaphore_mem>>
        %dma_start3A_749 = arith.constant 0 : i32
        %dma_start3A_750 = arith.constant 0 : i32
        %dma_start3A_751 = tpu.memref_slice %arg6[%dma_start3A_738, %dma_start3A_749, %dma_start3A_750] : memref<4x16x1024xf32, #tpu.memory_space<vmem>> -> memref<1x16x1024xf32, #tpu.memory_space<vmem>>
        %dma_start3A_752 = tpu.memref_squeeze %dma_start3A_751 : memref<1x16x1024xf32, #tpu.memory_space<vmem>> -> memref<16x1024xf32, #tpu.memory_space<vmem>>
        %dma_start3A_753 = arith.constant 0 : i32
        %dma_start3A_754 = tpu.memref_slice %arg2[%dma_start3A_737, %add3A_736, %dma_start3A_753] : memref<4x8192x1024xf32, #tpu.memory_space<hbm>> -> memref<1x16x1024xf32, #tpu.memory_space<hbm>>
        %dma_start3A_755 = tpu.memref_squeeze %dma_start3A_754 : memref<1x16x1024xf32, #tpu.memory_space<hbm>> -> memref<16x1024xf32, #tpu.memory_space<hbm>>
        tpu.enqueue_dma source(%dma_start3A_755 : memref<16x1024xf32, #tpu.memory_space<hbm>>) target(%dma_start3A_752 : memref<16x1024xf32, #tpu.memory_space<vmem>>) target_semaphore(%dma_start3A_748 : memref<!tpu.dma_semaphore, #tpu.memory_space<semaphore_mem>>)
      } else {
      }
      %mul3A_687 = arith.constant 16 : i32
      %mul3A_688 = arith.muli %add3A_422, %mul3A_687 : i32
      %add3A_689 = arith.addi %mul3A_2, %mul3A_688 : i32
      %dma_wait3A_690 = arith.constant 3 : i32
      %dma_wait3A_691 = arith.constant 3 : i32
      %dma_wait3A_692 = arith.constant 3 : i32
      %dma_wait3A_693 = arith.constant 0 : i32
      %dma_wait3A_694 = arith.constant 0 : i32
      %dma_wait3A_695 = tpu.memref_slice %arg6[%dma_wait3A_691, %dma_wait3A_693, %dma_wait3A_694] : memref<4x16x1024xf32, #tpu.memory_space<vmem>> -> memref<1x16x1024xf32, #tpu.memory_space<vmem>>
      %dma_wait3A_696 = tpu.memref_squeeze %dma_wait3A_695 : memref<1x16x1024xf32, #tpu.memory_space<vmem>> -> memref<16x1024xf32, #tpu.memory_space<vmem>>
      %dma_wait3A_697 = arith.constant 0 : i32
      %dma_wait3A_698 = tpu.memref_slice %arg2[%dma_wait3A_690, %add3A_689, %dma_wait3A_697] : memref<4x8192x1024xf32, #tpu.memory_space<hbm>> -> memref<1x16x1024xf32, #tpu.memory_space<hbm>>
      %dma_wait3A_699 = tpu.memref_squeeze %dma_wait3A_698 : memref<1x16x1024xf32, #tpu.memory_space<hbm>> -> memref<16x1024xf32, #tpu.memory_space<hbm>>
      %dma_wait3A_700 = tpu.memref_slice %arg7[%dma_wait3A_692] : memref<4x!tpu.dma_semaphore, #tpu.memory_space<semaphore_mem>> -> memref<1x!tpu.dma_semaphore, #tpu.memory_space<semaphore_mem>>
      %dma_wait3A_701 = tpu.memref_squeeze %dma_wait3A_700 : memref<1x!tpu.dma_semaphore, #tpu.memory_space<semaphore_mem>> -> memref<!tpu.dma_semaphore, #tpu.memory_space<semaphore_mem>>
      %dma_wait3A_702 = arith.constant 0 : i32
      %dma_wait3A_703 = arith.constant 0 : i32
      %dma_wait3A_704 = tpu.memref_slice %arg6[%dma_wait3A_691, %dma_wait3A_702, %dma_wait3A_703] : memref<4x16x1024xf32, #tpu.memory_space<vmem>> -> memref<1x16x1024xf32, #tpu.memory_space<vmem>>
      %dma_wait3A_705 = tpu.memref_squeeze %dma_wait3A_704 : memref<1x16x1024xf32, #tpu.memory_space<vmem>> -> memref<16x1024xf32, #tpu.memory_space<vmem>>
      %dma_wait3A_706 = arith.constant 0 : i32
      %dma_wait3A_707 = tpu.memref_slice %arg2[%dma_wait3A_690, %add3A_689, %dma_wait3A_706] : memref<4x8192x1024xf32, #tpu.memory_space<hbm>> -> memref<1x16x1024xf32, #tpu.memory_space<hbm>>
      %dma_wait3A_708 = tpu.memref_squeeze %dma_wait3A_707 : memref<1x16x1024xf32, #tpu.memory_space<hbm>> -> memref<16x1024xf32, #tpu.memory_space<hbm>>
      tpu.wait_dma2 semaphore(%dma_wait3A_701 : memref<!tpu.dma_semaphore, #tpu.memory_space<semaphore_mem>>) src(%dma_wait3A_708 : memref<16x1024xf32, #tpu.memory_space<hbm>>) dst(%dma_wait3A_705 : memref<16x1024xf32, #tpu.memory_space<vmem>>)
      %mul3A_709 = arith.constant 16 : i32
      %mul3A_710 = arith.muli %add3A_422, %mul3A_709 : i32
      %add3A_711 = arith.addi %mul3A_2, %mul3A_710 : i32
      %dma_start3A_712 = arith.constant 3 : i32
      %dma_start3A_713 = arith.constant 3 : i32
      %dma_start3A_714 = arith.constant 3 : i32
      %dma_start3A_715 = arith.constant 0 : i32
      %dma_start3A_716 = arith.constant 0 : i32
      %dma_start3A_717 = tpu.memref_slice %arg6[%dma_start3A_712, %dma_start3A_715, %dma_start3A_716] : memref<4x16x1024xf32, #tpu.memory_space<vmem>> -> memref<1x16x1024xf32, #tpu.memory_space<vmem>>
      %dma_start3A_718 = tpu.memref_squeeze %dma_start3A_717 : memref<1x16x1024xf32, #tpu.memory_space<vmem>> -> memref<16x1024xf32, #tpu.memory_space<vmem>>
      %dma_start3A_719 = arith.constant 0 : i32
      %dma_start3A_720 = tpu.memref_slice %arg4[%dma_start3A_713, %add3A_711, %dma_start3A_719] : memref<4x8192x1024xf32, #tpu.memory_space<hbm>> -> memref<1x16x1024xf32, #tpu.memory_space<hbm>>
      %dma_start3A_721 = tpu.memref_squeeze %dma_start3A_720 : memref<1x16x1024xf32, #tpu.memory_space<hbm>> -> memref<16x1024xf32, #tpu.memory_space<hbm>>
      %dma_start3A_722 = tpu.memref_slice %arg8[%dma_start3A_714] : memref<4x!tpu.dma_semaphore, #tpu.memory_space<semaphore_mem>> -> memref<1x!tpu.dma_semaphore, #tpu.memory_space<semaphore_mem>>
      %dma_start3A_723 = tpu.memref_squeeze %dma_start3A_722 : memref<1x!tpu.dma_semaphore, #tpu.memory_space<semaphore_mem>> -> memref<!tpu.dma_semaphore, #tpu.memory_space<semaphore_mem>>
      %dma_start3A_724 = arith.constant 0 : i32
      %dma_start3A_725 = tpu.memref_slice %arg4[%dma_start3A_713, %add3A_711, %dma_start3A_724] : memref<4x8192x1024xf32, #tpu.memory_space<hbm>> -> memref<1x16x1024xf32, #tpu.memory_space<hbm>>
      %dma_start3A_726 = tpu.memref_squeeze %dma_start3A_725 : memref<1x16x1024xf32, #tpu.memory_space<hbm>> -> memref<16x1024xf32, #tpu.memory_space<hbm>>
      %dma_start3A_727 = arith.constant 0 : i32
      %dma_start3A_728 = arith.constant 0 : i32
      %dma_start3A_729 = tpu.memref_slice %arg6[%dma_start3A_712, %dma_start3A_727, %dma_start3A_728] : memref<4x16x1024xf32, #tpu.memory_space<vmem>> -> memref<1x16x1024xf32, #tpu.memory_space<vmem>>
      %dma_start3A_730 = tpu.memref_squeeze %dma_start3A_729 : memref<1x16x1024xf32, #tpu.memory_space<vmem>> -> memref<16x1024xf32, #tpu.memory_space<vmem>>
      tpu.enqueue_dma source(%dma_start3A_730 : memref<16x1024xf32, #tpu.memory_space<vmem>>) target(%dma_start3A_726 : memref<16x1024xf32, #tpu.memory_space<hbm>>) target_semaphore(%dma_start3A_723 : memref<!tpu.dma_semaphore, #tpu.memory_space<semaphore_mem>>)
      %scan3A_731 = arith.constant 0 : i32
      scf.yield %scan3A_731 : i32
    }
    %scan3A_67 = arith.constant 8 : i32
    %add3A_68 = arith.constant 240 : i32
    %add3A_69 = arith.addi %mul3A_2, %add3A_68 : i32
    %dma_wait3A = arith.constant 2 : i32
    %dma_wait3A_70 = arith.constant 2 : i32
    %dma_wait3A_71 = arith.constant 2 : i32
    %dma_wait3A_72 = arith.constant 0 : i32
    %dma_wait3A_73 = arith.constant 0 : i32
    %dma_wait3A_74 = tpu.memref_slice %arg6[%dma_wait3A, %dma_wait3A_72, %dma_wait3A_73] : memref<4x16x1024xf32, #tpu.memory_space<vmem>> -> memref<1x16x1024xf32, #tpu.memory_space<vmem>>
    %dma_wait3A_75 = tpu.memref_squeeze %dma_wait3A_74 : memref<1x16x1024xf32, #tpu.memory_space<vmem>> -> memref<16x1024xf32, #tpu.memory_space<vmem>>
    %dma_wait3A_76 = arith.constant 0 : i32
    %dma_wait3A_77 = tpu.memref_slice %arg4[%dma_wait3A_70, %add3A_69, %dma_wait3A_76] : memref<4x8192x1024xf32, #tpu.memory_space<hbm>> -> memref<1x16x1024xf32, #tpu.memory_space<hbm>>
    %dma_wait3A_78 = tpu.memref_squeeze %dma_wait3A_77 : memref<1x16x1024xf32, #tpu.memory_space<hbm>> -> memref<16x1024xf32, #tpu.memory_space<hbm>>
    %dma_wait3A_79 = tpu.memref_slice %arg8[%dma_wait3A_71] : memref<4x!tpu.dma_semaphore, #tpu.memory_space<semaphore_mem>> -> memref<1x!tpu.dma_semaphore, #tpu.memory_space<semaphore_mem>>
    %dma_wait3A_80 = tpu.memref_squeeze %dma_wait3A_79 : memref<1x!tpu.dma_semaphore, #tpu.memory_space<semaphore_mem>> -> memref<!tpu.dma_semaphore, #tpu.memory_space<semaphore_mem>>
    %dma_wait3A_81 = arith.constant 0 : i32
    %dma_wait3A_82 = tpu.memref_slice %arg4[%dma_wait3A_70, %add3A_69, %dma_wait3A_81] : memref<4x8192x1024xf32, #tpu.memory_space<hbm>> -> memref<1x16x1024xf32, #tpu.memory_space<hbm>>
    %dma_wait3A_83 = tpu.memref_squeeze %dma_wait3A_82 : memref<1x16x1024xf32, #tpu.memory_space<hbm>> -> memref<16x1024xf32, #tpu.memory_space<hbm>>
    %dma_wait3A_84 = arith.constant 0 : i32
    %dma_wait3A_85 = arith.constant 0 : i32
    %dma_wait3A_86 = tpu.memref_slice %arg6[%dma_wait3A, %dma_wait3A_84, %dma_wait3A_85] : memref<4x16x1024xf32, #tpu.memory_space<vmem>> -> memref<1x16x1024xf32, #tpu.memory_space<vmem>>
    %dma_wait3A_87 = tpu.memref_squeeze %dma_wait3A_86 : memref<1x16x1024xf32, #tpu.memory_space<vmem>> -> memref<16x1024xf32, #tpu.memory_space<vmem>>
    tpu.wait_dma2 semaphore(%dma_wait3A_80 : memref<!tpu.dma_semaphore, #tpu.memory_space<semaphore_mem>>) src(%dma_wait3A_87 : memref<16x1024xf32, #tpu.memory_space<vmem>>) dst(%dma_wait3A_83 : memref<16x1024xf32, #tpu.memory_space<hbm>>)
    %add3A_88 = arith.constant 240 : i32
    %add3A_89 = arith.addi %mul3A_2, %add3A_88 : i32
    %dma_wait3A_90 = arith.constant 3 : i32
    %dma_wait3A_91 = arith.constant 3 : i32
    %dma_wait3A_92 = arith.constant 3 : i32
    %dma_wait3A_93 = arith.constant 0 : i32
    %dma_wait3A_94 = arith.constant 0 : i32
    %dma_wait3A_95 = tpu.memref_slice %arg6[%dma_wait3A_90, %dma_wait3A_93, %dma_wait3A_94] : memref<4x16x1024xf32, #tpu.memory_space<vmem>> -> memref<1x16x1024xf32, #tpu.memory_space<vmem>>
    %dma_wait3A_96 = tpu.memref_squeeze %dma_wait3A_95 : memref<1x16x1024xf32, #tpu.memory_space<vmem>> -> memref<16x1024xf32, #tpu.memory_space<vmem>>
    %dma_wait3A_97 = arith.constant 0 : i32
    %dma_wait3A_98 = tpu.memref_slice %arg4[%dma_wait3A_91, %add3A_89, %dma_wait3A_97] : memref<4x8192x1024xf32, #tpu.memory_space<hbm>> -> memref<1x16x1024xf32, #tpu.memory_space<hbm>>
    %dma_wait3A_99 = tpu.memref_squeeze %dma_wait3A_98 : memref<1x16x1024xf32, #tpu.memory_space<hbm>> -> memref<16x1024xf32, #tpu.memory_space<hbm>>
    %dma_wait3A_100 = tpu.memref_slice %arg8[%dma_wait3A_92] : memref<4x!tpu.dma_semaphore, #tpu.memory_space<semaphore_mem>> -> memref<1x!tpu.dma_semaphore, #tpu.memory_space<semaphore_mem>>
    %dma_wait3A_101 = tpu.memref_squeeze %dma_wait3A_100 : memref<1x!tpu.dma_semaphore, #tpu.memory_space<semaphore_mem>> -> memref<!tpu.dma_semaphore, #tpu.memory_space<semaphore_mem>>
    %dma_wait3A_102 = arith.constant 0 : i32
    %dma_wait3A_103 = tpu.memref_slice %arg4[%dma_wait3A_91, %add3A_89, %dma_wait3A_102] : memref<4x8192x1024xf32, #tpu.memory_space<hbm>> -> memref<1x16x1024xf32, #tpu.memory_space<hbm>>
    %dma_wait3A_104 = tpu.memref_squeeze %dma_wait3A_103 : memref<1x16x1024xf32, #tpu.memory_space<hbm>> -> memref<16x1024xf32, #tpu.memory_space<hbm>>
    %dma_wait3A_105 = arith.constant 0 : i32
    %dma_wait3A_106 = arith.constant 0 : i32
    %dma_wait3A_107 = tpu.memref_slice %arg6[%dma_wait3A_90, %dma_wait3A_105, %dma_wait3A_106] : memref<4x16x1024xf32, #tpu.memory_space<vmem>> -> memref<1x16x1024xf32, #tpu.memory_space<vmem>>
    %dma_wait3A_108 = tpu.memref_squeeze %dma_wait3A_107 : memref<1x16x1024xf32, #tpu.memory_space<vmem>> -> memref<16x1024xf32, #tpu.memory_space<vmem>>
    tpu.wait_dma2 semaphore(%dma_wait3A_101 : memref<!tpu.dma_semaphore, #tpu.memory_space<semaphore_mem>>) src(%dma_wait3A_108 : memref<16x1024xf32, #tpu.memory_space<vmem>>) dst(%dma_wait3A_104 : memref<16x1024xf32, #tpu.memory_space<hbm>>)
    return
  }
}

</mosaic_0001>

<sc_bundles>
// kernel: kernel.3.cloned.1.call-start
scs
__scs_entry_jumppad:
0x0: {  	(pc) =	sbr.rel $0x88, $3  }
0x1: {  	(tag) =	ssettag $0x0;
	lr =	simm.s32 $0x1  }
0x2: {  	[smem:$0x3F9F] =	sst lr;
	_ =	strace $0xD0000000  }
0x3: {  	_ = 	snop  }
0x4: {  	_ = 	snop  }
0x5: {  	_ = 	snop  }
0x6: {  	_ = 	snop  }
0x7: {  	_ = 	snop  }
__scs_overlays_trampoline_lowered:
0x8: {  	[smem:$0x3FAE] =	sst s0  }
0x9: {  	[smem:$0x3FAF] =	sst s1  }
0xa: {  	[smem:$0x3FB0] =	sst s2  }
0xb: {  	[smem:$0x3FB1] =	sst s3  }
0xc: {  	[smem:$0x3FB2] =	sst s4  }
0xd: {  	[smem:$0x3FB3] =	sst s5  }
0xe: {  	[smem:$0x3FB4] =	sst s6  }
0xf: {  	[smem:$0x3FB5] =	sst s7  }
0x10: {  	[smem:$0x3FB6] =	sst s8  }
0x11: {  	[smem:$0x3FB7] =	sst s9;
	s0 =	simm.s32 @!p0 $0x0  }
0x12: {  	s1 =	sld [smem:$0x3F9D];
	s0 =	simm.s32 @p0 $0x1  }
0x13: {  	[smem:$0x3FB8] =	sst s0;
	s0 =	simm.s32 @!p1 $0x0  }
0x14: {  	s2 =	sld [smem:$0x3F9C];
	s0 =	simm.s32 @p1 $0x1  }
0x15: {  	[smem:$0x3FB9] =	sst s0;
	s0 =	simm.s32 @!p2 $0x0  }
0x16: {  	s3 =	sld [smem:$0x3FDB];
	s0 =	simm.s32 @p2 $0x1  }
0x17: {  	s4 =	simm.s32 $0x1BF5;
	[smem:$0x3FBB] =	sst s0  }
0x18: {  	s0 =	sld [smem:$0x3F9E];
	_ =	swait.ge [sflag:s4], $0x0  }
0x19: {  	s7 =	sld [smem:$0x3F9F]  }
0x1a: {  	s8 =	sadd.s32 $0xFFFFE003, lr  }
0x1b: {  	s9 =	sadd.s32 $0xFFFFFEF7, lr;
	s5 =	simm.s32 $0xFFFFFFFF;
	p2 =	slt.u32 s8, $0xFFFFF086  }
0x1c: {  	p1 =	slt.u32 s9, $0xF7A;
	s5 =	simm.s32 @!p2 $0x0  }
0x1d: {  	s5 =	simm.s32 @p1 $0x1;
	p0 =	seq.s32 s7, s2  }
0x1e: {  	s7 =	smul.u32 @!p0 $0xF7A, s2;
	p2 =	seq.s32 @!p0 s5, $0x0  }
0x1f: {  	s9 =	smul.u32 $0xF7A, s1;
	s8 =	simm.s32 @!p0 $0x1BF5;
	p2 =	por !p2, p0  }
0x20: {  	[sflag:s8] =	ssyncset.s32 @!p0 $0xFFFFF086;
	s6 =	sadd.s32 @!p0 s3, s7;
	s7 =	simm.s32 @!p0 $0x108  }
0x21: {  	s3 =	sadd.s32 s3, s9;
	s6 =	sadd.s32 @!p0 $0x88, s6;
	s7 =	simm.s32 @p2 $0x1082  }
0x22: {  	[simem:s7], [sflag:s8] =	dma.local @!p0 [hbm:s6], $0xF7A  }
0x23: {  	s9 =	sor.u32 $0xD0000000, s2;
	s6 =	simm.s32 $0x108;
	_ =	swait.ge @!p0 [sflag:s8], $0x0  }
0x24: {  	s3 =	sadd.s32 $0x88, s3;
	s6 =	simm.s32 @!p1 $0x1082;
	[sflag:s4] =	ssyncset.s32 $0xFFFFF086  }
0x25: {  	[simem:s6], [sflag:s4] =	dma.local [hbm:s3], $0xF7A  }
0x26: {  	[smem:$0x3F9F] =	sst s1;
	(tag) =	ssettag s2;
	_ =	strace s9  }
0x27: {  	s1 =	sld [smem:$0x3FAF]  }
0x28: {  	s2 =	sld [smem:$0x3FB0]  }
0x29: {  	s4 =	sld [smem:$0x3FB2]  }
0x2a: {  	p0 =	seq.s32 s5, $0x0;
	s5 =	sld [smem:$0x3FB3]  }
0x2b: {  	s6 =	sld [smem:$0x3FB4]  }
0x2c: {  	s7 =	sld [smem:$0x3FB5]  }
0x2d: {  	s3 =	simm.s32 $0x108;
	s8 =	sld [smem:$0x3FB6]  }
0x2e: {  	s3 =	simm.s32 @!p0 $0x1082;
	s9 =	sld [smem:$0x3FB7]  }
0x2f: {  	lr =	sadd.s32 s0, s3;
	s0 =	sld [smem:$0x3FAE]  }
0x30: {  	s3 =	sld [smem:$0x3FB1]  }
0x31: {  	[smem:$0x3FBA] =	sst s10  }
0x32: {  	s10 =	sld [smem:$0x3FB8];
	_ =	sdelay $0x3  }
0x33: {  	p0 =	seq.s32 s10, $0x1;
	s10 =	sld [smem:$0x3FBA];
	_ =	sdelay $0x3  }
0x34: {  	[smem:$0x3FBA] =	sst s10  }
0x35: {  	s10 =	sld [smem:$0x3FB9];
	_ =	sdelay $0x3  }
0x36: {  	p1 =	seq.s32 s10, $0x1;
	s10 =	sld [smem:$0x3FBA];
	_ =	sdelay $0x3  }
0x37: {  	[smem:$0x3FBA] =	sst s10  }
0x38: {  	s10 =	sld [smem:$0x3FBB]  }
0x39: {  	_ = 	snop;
	(pc) =	sbr.ind lr, $3  }
0x3a: {  	_ = 	snop  }
0x3b: {  	_ = 	snop  }
0x3c: {  	p2 =	seq.s32 s10, $0x1;
	s10 =	sld [smem:$0x3FBA]  }
0x3d: {  	_ =	shalt  }
0x3e: {  	_ =	shalt  }
0x3f: {  	_ =	shalt  }
0x40: {  	_ =	shalt  }
0x41: {  	_ =	shalt  }
0x42: {  	_ =	shalt  }
0x43: {  	_ =	shalt  }
0x44: {  	_ =	shalt  }
0x45: {  	_ =	shalt  }
0x46: {  	_ =	shalt  }
0x47: {  	_ =	shalt  }
0x48: {  	_ =	shalt  }
0x49: {  	_ =	shalt  }
0x4a: {  	_ =	shalt  }
0x4b: {  	_ =	shalt  }
0x4c: {  	_ =	shalt  }
0x4d: {  	_ =	shalt  }
0x4e: {  	_ =	shalt  }
0x4f: {  	_ =	shalt  }
0x50: {  	_ =	shalt  }
0x51: {  	_ =	shalt  }
0x52: {  	_ =	shalt  }
0x53: {  	_ =	shalt  }
0x54: {  	_ =	shalt  }
0x55: {  	_ =	shalt  }
0x56: {  	_ =	shalt  }
0x57: {  	_ =	shalt  }
0x58: {  	_ =	shalt  }
0x59: {  	_ =	shalt  }
0x5a: {  	_ =	shalt  }
0x5b: {  	_ =	shalt  }
0x5c: {  	_ =	shalt  }
0x5d: {  	_ =	shalt  }
0x5e: {  	_ =	shalt  }
0x5f: {  	_ =	shalt  }
0x60: {  	_ =	shalt  }
0x61: {  	_ =	shalt  }
0x62: {  	_ =	shalt  }
0x63: {  	_ =	shalt  }
0x64: {  	_ =	shalt  }
0x65: {  	_ =	shalt  }
0x66: {  	_ =	shalt  }
0x67: {  	_ =	shalt  }
0x68: {  	_ =	shalt  }
0x69: {  	_ =	shalt  }
0x6a: {  	_ =	shalt  }
0x6b: {  	_ =	shalt  }
0x6c: {  	_ =	shalt  }
0x6d: {  	_ =	shalt  }
0x6e: {  	_ =	shalt  }
0x6f: {  	_ =	shalt  }
0x70: {  	_ =	shalt  }
0x71: {  	_ =	shalt  }
0x72: {  	_ =	shalt  }
0x73: {  	_ =	shalt  }
0x74: {  	_ =	shalt  }
0x75: {  	_ =	shalt  }
0x76: {  	_ =	shalt  }
0x77: {  	_ =	shalt  }
0x78: {  	_ =	shalt  }
0x79: {  	_ =	shalt  }
0x7a: {  	_ =	shalt  }
0x7b: {  	_ =	shalt  }
0x7c: {  	_ =	shalt  }
0x7d: {  	_ =	shalt  }
0x7e: {  	_ =	shalt  }
0x7f: {  	_ =	shalt  }
0x80: {  	_ =	shalt  }
0x81: {  	_ =	shalt  }
0x82: {  	_ =	shalt  }
0x83: {  	_ =	shalt  }
0x84: {  	_ =	shalt  }
0x85: {  	_ =	shalt  }
0x86: {  	_ =	shalt  }
0x87: {  	_ =	shalt  }
.Lfunc_end0:
.L_simem_size_0:
called_computation_lowered:
.L_overlay_start_0:
0x88: {  	s2 =	sld [smem:$0x3FD9]  }
0x89: {  	s3 =	sld [smem:$0x3FFE];
	_ =	sdelay $0x1  }
0x8a: {  	s1 =	srdreg.scid  }
0x8b: {  	s0 =	sand.u32 $0x1, s1  }
0x8c: {  	s18 =	sshll.u32 s0, $0xA;
	s2 =	sadd.s32 s3, s2  }
0x8d: {  	s2 =	sadd.s32 s2, s18  }
0x8e: {  	[smem:$0x3FC6] =	sst s2  }
0x8f: {  	_ = 	snop  }
0x90: {  	s2 =	sld [smem:$0x3FC9]  }
0x91: {  	s19 =	sld [smem:$0x3FC8]  }
0x92: {  	s4 =	sld [smem:$0x3FD0];
	(tm) =	ssettm $0x1  }
0x93: {  	s5 =	sld [smem:$0x3FFB];
	_ =	sdelay $0x3  }
0x94: {  	_ =	strace s5  }
0x95: {  	s5 =	sld [smem:$0x3FFC];
	_ =	sdelay $0x3  }
0x96: {  	_ =	strace s5  }
0x97: {  	s5 =	sld [smem:$0x3FFD];
	_ =	sdelay $0x3  }
0x98: {  	_ =	strace s5  }
0x99: {  	_ =	strace $0x8FFFFFFF  }
0x9a: {  	s20 =	sld [smem:$0x3FDB];
	_ =	sdelay $0x1  }
0x9b: {  	s6 =	simm.s32 $_scs_section_size  }
0x9c: {  	s7 =	simm.s32 $_size__tile_overlayer_lowered;
	s8 =	simm.s32 $_tile_overlayer_lowered  }
0x9d: {  	s23 =	simm.s32 $0x1BFF;
	s22 =	sshll.u32 s8, $0x1;
	s5 =	sadd.s32 s6, s20  }
0x9e: {  	s9 =	simm.s32 $0x0;
	s21 =	sshll.u32 s7, $0x1;
	s7 =	sadd.s32 s22, s5  }
0x9f: {  	[timem:s9], [sflag:s23] =	dma.local [hbm:s7], s21  }
0xa0: {  	_ =	swait.ge [sflag:s23], s21  }
0xa1: {  	s6 =	ssub.s32 $0x0, s21;
	[sflag:s23] =	ssyncset.done $0x0  }
0xa2: {  	[sflag:s23] =	ssyncadd.s32 s6;
	_ =	sdelay $0x1  }
0xa3: {  	s24 =	simm.s32 $0x1B8B  }
0xa4: {  	_ =	swait.ge [sflag:s24], $0x1  }
0xa5: {  	[sflag:s24] =	ssyncset.done $0x0  }
0xa6: {  	s25 =	simm.s32 $0x1B8E;
	[sflag:s24] =	ssyncadd.s32 $0xFFFFFFFF  }
0xa7: {  	s26 =	simm.s32 $execute0_lowered;
	[smem:$0x3FD2] =	sst s25  }
0xa8: {  	s6 =	sshll.u32 s26, $0x1;
	_ =	strace $0x80000046;
	[dreg:$0x1] =	wrdreg $0xFFFFFFFF  }
0xa9: {  	s28 =	simm.s32 $_size_execute0_lowered;
	s5 =	sadd.s32 s5, s6;
	[dreg:$0x0] =	wrdreg $0x0  }
0xaa: {  	s6 =	sshll.u32 s28, $0x1;
	[dreg:$0x2] =	wrdreg s5  }
0xab: {  	[dreg:$0x3] =	wrdreg s6  }
0xac: {  	[dreg:$0x4] =	wrdreg $0xC0  }
0xad: {  	_ =	task [dreg:s9], $0x5FFFF  }
0xae: {  	[dreg:$0x1] =	wrdreg $0xFFFFFFFF  }
0xaf: {  	[dreg:$0x0] =	wrdreg $0x60  }
0xb0: {  	[dreg:$0x2] =	wrdreg s2  }
0xb1: {  	[dreg:$0x3] =	wrdreg s19  }
0xb2: {  	[dreg:$0x4] =	wrdreg s4  }
0xb3: {  	[dreg:$0x5] =	wrdreg $0x9  }
0xb4: {  	_ =	task.clear_ibuf [dreg:s9], $0x6FFFF;
	_ =	strace $0x90000046  }
0xb5: {  	s29 =	simm.s32 $0x9;
	_ =	strace $0x80000048  }
0xb6: {  	_ =	swait.ge [sflag:s29], $0x1  }
0xb7: {  	[sflag:s29] =	ssyncadd.s32 $0xFFFFFFFF  }
0xb8: {  	_ =	strace $0x90000048  }
0xb9: {  	_ =	sfence  }
0xba: {  	s30 =	sld [smem:$0x0];
	_ =	sdelay $0x2  }
0xbb: {  	s31 =	sshll.u32 s1, $0xD;
	s1 =	sshrl.u32 s1, $0x2  }
0xbc: {  	s3 =	sand.u32 $0x4000, s31;
	s1 =	sadd.s32 s1, s30  }
0xbd: {  	s0 =	sor.u32 s3, s0;
	s1 =	sshll.u32 s1, $0x11  }
0xbe: {  	s0 =	sor.u32 s1, s0  }
0xbf: {  	s0 =	sadd.s32 $0x8F2B, s0  }
0xc0: {  	[sflag:s0] =	ssyncadd.remote.s32 $0x1  }
0xc1: {  	_ =	sfence.sel $0xFFFF  }
0xc2: {  	[dreg:$0x0] =	wrdreg $0xFFFFFFFF;
	(pc) =	sbr.abs _section_cstart, $3  }
0xc3: {  	[dreg:$0x1] =	wrdreg $0xFFFFFFFF  }
0xc4: {  	_ =	task.clear_ibuf [dreg:s9], $0x2FFFF;
	_ =	strace $0x9FFFFFFF  }
0xc5: {  	(tm) =	ssettm $0x7FFFFFFF  }
tec
execute0_lowered:
.L_overlay_start_1:
0x0: {  	(tag) =	ssettag $0x1  }
0x1: {  	s2 =	rddreg [dreg:$0x0]  }
0x2: {  	s0 =	rddreg [dreg:$0x1];
	s1 =	srdreg.scid  }
0x3: {  	s3 =	rddreg [dreg:$0x2];
	s5 =	stileid.u32  }
0x4: {  	s4 =	simm.s32 $0x0;
	s13 =	simm.s32 $0x8000;
	s14 =	simm.s32 $0xC000  }
0x5: {  	s15 =	simm.s32 $0x10000;
	s16 =	simm.s32 $0x9;
	s31 =	simm.s32 $0x4000  }
0x6: {  	s17 =	simm.s32 $0x1;
	s18 =	simm.s32 $0x14000;
	s19 =	simm.s32 $0x2  }
0x7: {  	s20 =	simm.s32 $0x5;
	s21 =	simm.s32 $0x3;
	s1 =	sand.u32 $0x1, s1  }
0x8: {  	s6 =	sshll.u32 s5, $0x10;
	[smem:$0x7FF] =	sst s4;
	s24 =	sshll.u32 s5, $0x13  }
0x9: {  	s12 =	sshll.u32 s1, $0xF;
	s7 =	ssub.s32 $0x2, s1;
	_ =	strace $0x80000047  }
0xa: {  	s1 =	sshll.u32 s1, $0x12;
	s29 =	sadd.s32 s6, s2;
	[dreg:$0x6] =	wrdreg s31  }
0xb: {  	s8 =	sor.u32 s12, s6;
	s9 =	sshrl.u32 s7, $0x1;
	s1 =	sor.u32 s1, s24  }
0xc: {  	s24 =	simm.s32 $0x7;
	s10 =	sadd.s32 s2, s8;
	s9 =	ssub.s32 s7, s9  }
0xd: {  	s23 =	sadd.s32 s0, s8;
	s0 =	sadd.s32 s6, s0;
	s26 =	sshrl.u32 s1, $0x3  }
0xe: {  	s28 =	sor.u32 $0x4000, s1;
	s1 =	simm.s32 $0x0;
	[dreg:$0x8] =	wrdreg s10  }
0xf: {  	s22 =	sadd.s32 $0x100000, s10;
	[dreg:$0xa] =	wrdreg s23;
	s25 =	smax.u32 s9, $0x1  }
0x10: {  	s9 =	sadd.s32 s12, s0;
	[dreg:$0x7] =	wrdreg s26;
	s30 =	sadd.s32 s26, s3  }
0x11: {  	s0 =	sshrl.u32 s28, $0x3;
	s12 =	sadd.s32 s12, s29;
	[dreg:$0x9] =	wrdreg s22  }
0x12: {  	s23 =	simm.s32 $0x4;
	s26 =	simm.s32 $0x8;
	[dreg:$0xb] =	wrdreg s25  }
0x13: {  	[dreg:$0x4] =	wrdreg s30;
	s11 =	smov.u32 s0;
	s0 =	sadd.s32 s0, s3  }
0x14: {  	s22 =	simm.s32 $0x6;
	s25 =	simm.s32 $0xA;
	[dreg:$0x5] =	wrdreg s0  }
.LBB2_1:
0x15: {  	[dreg:$0xc] =	wrdreg s1  }
0x16: {  	s0 =	rddreg [dreg:$0x8]  }
0x17: {  	[tilespmem:s13], [sflag:$0x1] =	stream.linear.gather [hbm4b:s0+s4], $0x4000, $0x38;
	[tilespmem:$0x18000] =	vst v63  }
0x18: {  	s8 =	rddreg [dreg:$0x9];
	p0 =	por $0x1, $0x1  }
0x19: {  	[tilespmem:s14], [sflag:$0x2] =	stream.linear.gather [hbm4b:s8+s4], $0x4000, $0x38;
	[tilespmem:$0x18000] =	vst v63  }
0x1a: {  	s10 =	rddreg [dreg:$0xa];
	s0 =	simm.s32 @!p0 $0x7  }
0x1b: {  	[tilespmem:s4], [sflag:$0x9] =	stream.linear.gather [hbm4b:s10+s4], $0x4000, $0x38;
	[tilespmem:$0x18000] =	vst v63  }
0x1c: {  	_ =	swait.ge @!p0 [sflag:s0], $0x4000  }
0x1d: {  	s28 =	rddreg [dreg:$0x7]  }
0x1e: {  	s1 =	sadd.s32 $0x0, s28  }
0x1f: {  	[sflag:s0] =	ssyncset.done @!p0 $0x0;
	s6 =	sor.u32 $0x200000, s1  }
0x20: {  	[sflag:s0] =	ssyncadd.s32 @!p0 $0xFFFFC000;
	s5 =	sadd.s32 s2, s6  }
0x21: {  	[tilespmem:s15], [sflag:$0x3] =	stream.linear.gather [hbm4b:s5+s4], $0x4000, $0x38;
	[tilespmem:$0x18000] =	vst v63  }
0x22: {  	_ =	swait.ge [sflag:s16], $0x4000  }
0x23: {  	s29 =	sadd.s32 $0x0, s9;
	[sflag:s16] =	ssyncset.done $0x0  }
0x24: {  	s29 =	sadd.s32 $0x800, s29;
	s7 =	rddreg [dreg:$0x6];
	[sflag:s16] =	ssyncadd.s32 $0xFFFFC000  }
0x25: {  	[tilespmem:s7], [sflag:$0xA] =	stream.linear.gather [hbm4b:s29+s4], $0x4000, $0x38;
	[tilespmem:$0x18000] =	vst v63  }
0x26: {  	_ =	swait.ge [sflag:s17], $0x4000  }
0x27: {  	s8 =	rddreg [dreg:$0x4];
	[sflag:s17] =	ssyncset.done $0x0  }
0x28: {  	s29 =	simm.s32 @!p0 $0x8;
	[sflag:s17] =	ssyncadd.s32 $0xFFFFC000;
	s0 =	sadd.s32 $0x0, s8  }
0x29: {  	[hbm4b:s0+s4] =	stream.linear.scatter [tilespmem:s13], [sflag:$0x5], $0x4000, $0x38;
	[tilespmem:$0x18000] =	vst v63  }
0x2a: {  	_ =	swait.ge @!p0 [sflag:s29], $0x4000  }
0x2b: {  	s10 =	sor.u32 $0x300000, s1;
	[sflag:s29] =	ssyncset.done @!p0 $0x0  }
0x2c: {  	[sflag:s29] =	ssyncadd.s32 @!p0 $0xFFFFC000;
	s29 =	sadd.s32 s2, s10  }
0x2d: {  	[tilespmem:s18], [sflag:$0x4] =	stream.linear.gather [hbm4b:s29+s4], $0x4000, $0x38;
	[tilespmem:$0x18000] =	vst v63  }
0x2e: {  	_ =	swait.ge [sflag:s19], $0x4000  }
0x2f: {  	s1 =	sor.u32 $0x100000, s1;
	[sflag:s19] =	ssyncset.done $0x0  }
0x30: {  	s1 =	sadd.s32 s3, s1;
	[sflag:s19] =	ssyncadd.s32 $0xFFFFC000  }
0x31: {  	[hbm4b:s1+s4] =	stream.linear.scatter [tilespmem:s14], [sflag:$0x6], $0x4000, $0x38;
	[tilespmem:$0x18000] =	vst v63  }
0x32: {  	_ =	swait.ge [sflag:s20], $0x4000  }
0x33: {  	s28 =	sadd.s32 $0x0, s12;
	[sflag:s20] =	ssyncset.done $0x0  }
0x34: {  	s29 =	sadd.s32 $0x800, s28;
	[sflag:s20] =	ssyncadd.s32 $0xFFFFC000  }
0x35: {  	[tilespmem:s13], [sflag:$0x1] =	stream.linear.gather [hbm4b:s29+s4], $0x4000, $0x38;
	[tilespmem:$0x18000] =	vst v63  }
0x36: {  	_ =	swait.ge [sflag:s21], $0x4000  }
0x37: {  	[sflag:s21] =	ssyncset.done $0x0  }
0x38: {  	s6 =	sadd.s32 s3, s6;
	[sflag:s21] =	ssyncadd.s32 $0xFFFFC000  }
0x39: {  	[hbm4b:s6+s4] =	stream.linear.scatter [tilespmem:s15], [sflag:$0x7], $0x4000, $0x38;
	[tilespmem:$0x18000] =	vst v63  }
0x3a: {  	_ =	swait.ge [sflag:s22], $0x4000  }
0x3b: {  	[sflag:s22] =	ssyncset.done $0x0  }
0x3c: {  	s1 =	sadd.s32 $0x100800, s28;
	[sflag:s22] =	ssyncadd.s32 $0xFFFFC000  }
0x3d: {  	[tilespmem:s14], [sflag:$0x2] =	stream.linear.gather [hbm4b:s1+s4], $0x4000, $0x38;
	[tilespmem:$0x18000] =	vst v63  }
0x3e: {  	_ =	swait.ge [sflag:s23], $0x4000  }
0x3f: {  	[sflag:s23] =	ssyncset.done $0x0  }
0x40: {  	s0 =	sadd.s32 s3, s10;
	[sflag:s23] =	ssyncadd.s32 $0xFFFFC000  }
0x41: {  	[hbm4b:s0+s4] =	stream.linear.scatter [tilespmem:s18], [sflag:$0x8], $0x4000, $0x38;
	[tilespmem:$0x18000] =	vst v63  }
0x42: {  	s5 =	sadd.s32 $0x0, s11;
	_ =	swait.ge [sflag:s24], $0x4000  }
0x43: {  	s7 =	sor.u32 $0x200000, s5;
	[sflag:s24] =	ssyncset.done $0x0  }
0x44: {  	s8 =	sadd.s32 s2, s7;
	[sflag:s24] =	ssyncadd.s32 $0xFFFFC000  }
0x45: {  	[tilespmem:s15], [sflag:$0x3] =	stream.linear.gather [hbm4b:s8+s4], $0x4000, $0x38;
	[tilespmem:$0x18000] =	vst v63  }
0x46: {  	p0 =	por $0x0, $0x0;
	_ =	swait.ge [sflag:s25], $0x4000  }
0x47: {  	s6 =	sadd.s32 @!p0 $0x0, s9;
	[sflag:s25] =	ssyncset.done $0x0  }
0x48: {  	s29 =	simm.s32 @!p0 $0x0;
	s6 =	sadd.s32 @!p0 $0x1000, s6;
	[sflag:s25] =	ssyncadd.s32 $0xFFFFC000  }
0x49: {  	[tilespmem:s29], [sflag:$0x9] =	stream.linear.gather @!p0 [hbm4b:s6+s29], $0x4000, $0x38;
	[tilespmem:$0x18000] =	vst v63  }
0x4a: {  	_ =	swait.ge [sflag:s17], $0x4000  }
0x4b: {  	s10 =	rddreg [dreg:$0x5];
	[sflag:s17] =	ssyncset.done $0x0  }
0x4c: {  	[sflag:s17] =	ssyncadd.s32 $0xFFFFC000;
	s6 =	sadd.s32 $0x0, s10  }
0x4d: {  	[hbm4b:s6+s4] =	stream.linear.scatter [tilespmem:s13], [sflag:$0x5], $0x4000, $0x38;
	[tilespmem:$0x18000] =	vst v63  }
0x4e: {  	_ =	swait.ge [sflag:s26], $0x4000  }
0x4f: {  	s28 =	sor.u32 $0x300000, s5;
	[sflag:s26] =	ssyncset.done $0x0  }
0x50: {  	s30 =	sadd.s32 s2, s28;
	[sflag:s26] =	ssyncadd.s32 $0xFFFFC000  }
0x51: {  	[tilespmem:s18], [sflag:$0x4] =	stream.linear.gather [hbm4b:s30+s4], $0x4000, $0x38;
	[tilespmem:$0x18000] =	vst v63  }
0x52: {  	_ =	swait.ge [sflag:s19], $0x4000  }
0x53: {  	s0 =	sor.u32 $0x100000, s5;
	[sflag:s19] =	ssyncset.done $0x0  }
0x54: {  	s0 =	sadd.s32 s3, s0;
	[sflag:s19] =	ssyncadd.s32 $0xFFFFC000  }
0x55: {  	[hbm4b:s0+s4] =	stream.linear.scatter [tilespmem:s14], [sflag:$0x6], $0x4000, $0x38;
	[tilespmem:$0x18000] =	vst v63  }
0x56: {  	_ =	swait.ge [sflag:s20], $0x4000  }
0x57: {  	s0 =	sadd.s32 @!p0 $0x0, s12;
	[sflag:s20] =	ssyncset.done $0x0  }
0x58: {  	s31 =	simm.s32 @!p0 $0x8000;
	s30 =	sadd.s32 @!p0 $0x1000, s0;
	[sflag:s20] =	ssyncadd.s32 $0xFFFFC000  }
0x59: {  	[tilespmem:s31], [sflag:$0x1] =	stream.linear.gather @!p0 [hbm4b:s30+s29], $0x4000, $0x38;
	[tilespmem:$0x18000] =	vst v63  }
0x5a: {  	_ =	swait.ge [sflag:s21], $0x4000  }
0x5b: {  	[sflag:s21] =	ssyncset.done $0x0  }
0x5c: {  	s1 =	sadd.s32 s3, s7;
	[sflag:s21] =	ssyncadd.s32 $0xFFFFC000  }
0x5d: {  	[hbm4b:s1+s4] =	stream.linear.scatter [tilespmem:s15], [sflag:$0x7], $0x4000, $0x38;
	[tilespmem:$0x18000] =	vst v63  }
0x5e: {  	_ =	swait.ge [sflag:s22], $0x4000  }
0x5f: {  	p1 =	por $0x0, $0x0;
	[sflag:s22] =	ssyncset.done $0x0  }
0x60: {  	s0 =	sadd.s32 @!p0 $0x101000, s0;
	s1 =	simm.s32 @!p0 $0xC000;
	[sflag:s22] =	ssyncadd.s32 $0xFFFFC000  }
0x61: {  	[tilespmem:s1], [sflag:$0x2] =	stream.linear.gather @!p0 [hbm4b:s0+s29], $0x4000, $0x38;
	[tilespmem:$0x18000] =	vst v63  }
0x62: {  	s31 =	simm.s32 $0x2000;
	s30 =	simm.s32 $0x3;
	_ =	swait.ge [sflag:s23], $0x4000  }
0x63: {  	s29 =	simm.s32 $0x1000;
	s1 =	sadd.s32 s3, s28;
	[sflag:s23] =	ssyncset.done $0x0  }
.LBB2_2:
0x64: {  	s6 =	simm.s32 @!p1 $0x7;
	[sflag:s23] =	ssyncadd.s32 $0xFFFFC000  }
0x65: {  	[hbm4b:s1+s4] =	stream.linear.scatter [tilespmem:s18], [sflag:$0x8], $0x4000, $0x38;
	[tilespmem:$0x18000] =	vst v63  }
0x66: {  	_ =	swait.ge @!p1 [sflag:s6], $0x4000  }
0x67: {  	s8 =	rddreg [dreg:$0x7]  }
0x68: {  	s7 =	sadd.s32 s29, s8  }
0x69: {  	[sflag:s6] =	ssyncset.done @!p1 $0x0;
	s1 =	sor.u32 $0x200000, s7  }
0x6a: {  	[sflag:s6] =	ssyncadd.s32 @!p1 $0xFFFFC000;
	s10 =	sadd.s32 s2, s1  }
0x6b: {  	[tilespmem:s15], [sflag:$0x3] =	stream.linear.gather [hbm4b:s10+s4], $0x4000, $0x38;
	[tilespmem:$0x18000] =	vst v63  }
0x6c: {  	_ =	swait.ge [sflag:s16], $0x4000  }
0x6d: {  	s5 =	sadd.s32 s29, s9;
	[sflag:s16] =	ssyncset.done $0x0  }
0x6e: {  	s5 =	sadd.s32 $0x800, s5;
	s28 =	rddreg [dreg:$0x6];
	[sflag:s16] =	ssyncadd.s32 $0xFFFFC000  }
0x6f: {  	[tilespmem:s28], [sflag:$0xA] =	stream.linear.gather [hbm4b:s5+s4], $0x4000, $0x38;
	[tilespmem:$0x18000] =	vst v63  }
0x70: {  	_ =	swait.ge [sflag:s17], $0x4000  }
0x71: {  	s6 =	rddreg [dreg:$0x4];
	[sflag:s17] =	ssyncset.done $0x0  }
0x72: {  	[sflag:s17] =	ssyncadd.s32 $0xFFFFC000;
	s5 =	sadd.s32 s29, s6;
	s6 =	simm.s32 @!p1 $0x8  }
0x73: {  	[hbm4b:s5+s4] =	stream.linear.scatter [tilespmem:s13], [sflag:$0x5], $0x4000, $0x38;
	[tilespmem:$0x18000] =	vst v63  }
0x74: {  	_ =	swait.ge @!p1 [sflag:s6], $0x4000  }
0x75: {  	s5 =	sor.u32 $0x300000, s7;
	[sflag:s6] =	ssyncset.done @!p1 $0x0  }
0x76: {  	s8 =	sor.u32 $0x100000, s7;
	s7 =	sadd.s32 s2, s5;
	[sflag:s6] =	ssyncadd.s32 @!p1 $0xFFFFC000  }
0x77: {  	[tilespmem:s18], [sflag:$0x4] =	stream.linear.gather [hbm4b:s7+s4], $0x4000, $0x38;
	[tilespmem:$0x18000] =	vst v63  }
0x78: {  	_ =	swait.ge [sflag:s19], $0x4000  }
0x79: {  	[sflag:s19] =	ssyncset.done $0x0  }
0x7a: {  	s8 =	sadd.s32 s3, s8;
	[sflag:s19] =	ssyncadd.s32 $0xFFFFC000  }
0x7b: {  	[hbm4b:s8+s4] =	stream.linear.scatter [tilespmem:s14], [sflag:$0x6], $0x4000, $0x38;
	[tilespmem:$0x18000] =	vst v63  }
0x7c: {  	_ =	swait.ge [sflag:s20], $0x4000  }
0x7d: {  	s10 =	sadd.s32 s29, s12;
	[sflag:s20] =	ssyncset.done $0x0  }
0x7e: {  	s28 =	sadd.s32 $0x800, s10;
	[sflag:s20] =	ssyncadd.s32 $0xFFFFC000  }
0x7f: {  	[tilespmem:s13], [sflag:$0x1] =	stream.linear.gather [hbm4b:s28+s4], $0x4000, $0x38;
	[tilespmem:$0x18000] =	vst v63  }
0x80: {  	_ =	swait.ge [sflag:s21], $0x4000  }
0x81: {  	[sflag:s21] =	ssyncset.done $0x0  }
0x82: {  	s1 =	sadd.s32 s3, s1;
	[sflag:s21] =	ssyncadd.s32 $0xFFFFC000  }
0x83: {  	[hbm4b:s1+s4] =	stream.linear.scatter [tilespmem:s15], [sflag:$0x7], $0x4000, $0x38;
	[tilespmem:$0x18000] =	vst v63  }
0x84: {  	_ =	swait.ge [sflag:s22], $0x4000  }
0x85: {  	[sflag:s22] =	ssyncset.done $0x0  }
0x86: {  	s6 =	sadd.s32 $0x100800, s10;
	[sflag:s22] =	ssyncadd.s32 $0xFFFFC000  }
0x87: {  	[tilespmem:s14], [sflag:$0x2] =	stream.linear.gather [hbm4b:s6+s4], $0x4000, $0x38;
	[tilespmem:$0x18000] =	vst v63  }
0x88: {  	_ =	swait.ge [sflag:s23], $0x4000  }
0x89: {  	[sflag:s23] =	ssyncset.done $0x0  }
0x8a: {  	s7 =	sadd.s32 s3, s5;
	[sflag:s23] =	ssyncadd.s32 $0xFFFFC000  }
0x8b: {  	[hbm4b:s7+s4] =	stream.linear.scatter [tilespmem:s18], [sflag:$0x8], $0x4000, $0x38;
	[tilespmem:$0x18000] =	vst v63  }
0x8c: {  	s5 =	sadd.s32 s29, s11;
	_ =	swait.ge [sflag:s24], $0x4000  }
0x8d: {  	s1 =	sor.u32 $0x200000, s5;
	[sflag:s24] =	ssyncset.done $0x0  }
0x8e: {  	s8 =	sadd.s32 s2, s1;
	[sflag:s24] =	ssyncadd.s32 $0xFFFFC000  }
0x8f: {  	[tilespmem:s15], [sflag:$0x3] =	stream.linear.gather [hbm4b:s8+s4], $0x4000, $0x38;
	[tilespmem:$0x18000] =	vst v63  }
0x90: {  	p1 =	sgt.u32 s30, $0xE;
	_ =	swait.ge [sflag:s25], $0x4000  }
0x91: {  	s6 =	sadd.s32 @!p1 s29, s9;
	[sflag:s25] =	ssyncset.done $0x0  }
0x92: {  	s28 =	sadd.s32 @!p1 $0x1000, s6;
	s6 =	simm.s32 @!p1 $0x0;
	[sflag:s25] =	ssyncadd.s32 $0xFFFFC000  }
0x93: {  	[tilespmem:s6], [sflag:$0x9] =	stream.linear.gather @!p1 [hbm4b:s28+s6], $0x4000, $0x38;
	[tilespmem:$0x18000] =	vst v63  }
0x94: {  	_ =	swait.ge [sflag:s17], $0x4000  }
0x95: {  	s10 =	rddreg [dreg:$0x5];
	[sflag:s17] =	ssyncset.done $0x0  }
0x96: {  	[sflag:s17] =	ssyncadd.s32 $0xFFFFC000;
	s10 =	sadd.s32 s29, s10  }
0x97: {  	[hbm4b:s10+s4] =	stream.linear.scatter [tilespmem:s13], [sflag:$0x5], $0x4000, $0x38;
	[tilespmem:$0x18000] =	vst v63  }
0x98: {  	s0 =	smov.u32 s31;
	s8 =	sadd.s32 @!p1 s29, s12;
	_ =	swait.ge [sflag:s26], $0x4000  }
0x99: {  	s29 =	smov.u32 s0;
	s0 =	sor.u32 $0x300000, s5;
	[sflag:s26] =	ssyncset.done $0x0  }
0x9a: {  	s7 =	sor.u32 $0x100000, s5;
	s5 =	sadd.s32 s2, s0;
	[sflag:s26] =	ssyncadd.s32 $0xFFFFC000  }
0x9b: {  	[tilespmem:s18], [sflag:$0x4] =	stream.linear.gather [hbm4b:s5+s4], $0x4000, $0x38;
	[tilespmem:$0x18000] =	vst v63  }
0x9c: {  	_ =	swait.ge [sflag:s19], $0x4000  }
0x9d: {  	[sflag:s19] =	ssyncset.done $0x0  }
0x9e: {  	s10 =	sadd.s32 s3, s7;
	[sflag:s19] =	ssyncadd.s32 $0xFFFFC000  }
0x9f: {  	[hbm4b:s10+s4] =	stream.linear.scatter [tilespmem:s14], [sflag:$0x6], $0x4000, $0x38;
	[tilespmem:$0x18000] =	vst v63  }
0xa0: {  	_ =	swait.ge [sflag:s20], $0x4000  }
0xa1: {  	[sflag:s20] =	ssyncset.done $0x0  }
0xa2: {  	s28 =	sadd.s32 @!p1 $0x1000, s8;
	s5 =	simm.s32 @!p1 $0x8000;
	[sflag:s20] =	ssyncadd.s32 $0xFFFFC000  }
0xa3: {  	[tilespmem:s5], [sflag:$0x1] =	stream.linear.gather @!p1 [hbm4b:s28+s6], $0x4000, $0x38;
	[tilespmem:$0x18000] =	vst v63  }
0xa4: {  	_ =	swait.ge [sflag:s21], $0x4000  }
0xa5: {  	[sflag:s21] =	ssyncset.done $0x0  }
0xa6: {  	s31 =	sadd.s32 $0x1000, s31;
	s1 =	sadd.s32 s3, s1;
	[sflag:s21] =	ssyncadd.s32 $0xFFFFC000  }
0xa7: {  	[hbm4b:s1+s4] =	stream.linear.scatter [tilespmem:s15], [sflag:$0x7], $0x4000, $0x38;
	[tilespmem:$0x18000] =	vst v63  }
0xa8: {  	p0 =	sne.s32 s31, $0x8000;
	_ =	swait.ge [sflag:s22], $0x4000  }
.Ltmp0:
0xa9: {  	[sflag:s22] =	ssyncset.done $0x0;
	(pc) =	sbr.rel @p0 .LBB2_2-.Ltmp0, $4  }
0xaa: {  	s8 =	sadd.s32 @!p1 $0x101000, s8;
	s1 =	simm.s32 @!p1 $0xC000;
	[sflag:s22] =	ssyncadd.s32 $0xFFFFC000  }
0xab: {  	[tilespmem:s1], [sflag:$0x2] =	stream.linear.gather @!p1 [hbm4b:s8+s6], $0x4000, $0x38;
	[tilespmem:$0x18000] =	vst v63  }
0xac: {  	s30 =	sadd.s32 $0x2, s30;
	_ =	swait.ge [sflag:s23], $0x4000  }
0xad: {  	p1 =	seq.s32 s29, $0x0;
	s1 =	sadd.s32 s3, s0;
	[sflag:s23] =	ssyncset.done $0x0  }
0xae: {  	s0 =	simm.s32 @!p1 $0x7;
	[sflag:s23] =	ssyncadd.s32 $0xFFFFC000  }
0xaf: {  	[hbm4b:s1+s4] =	stream.linear.scatter [tilespmem:s18], [sflag:$0x8], $0x4000, $0x38;
	[tilespmem:$0x18000] =	vst v63  }
0xb0: {  	_ =	swait.ge @!p1 [sflag:s0], $0x4000  }
0xb1: {  	s10 =	rddreg [dreg:$0x7]  }
0xb2: {  	s1 =	sadd.s32 s29, s10  }
0xb3: {  	[sflag:s0] =	ssyncset.done @!p1 $0x0;
	s5 =	sor.u32 $0x200000, s1  }
0xb4: {  	[sflag:s0] =	ssyncadd.s32 @!p1 $0xFFFFC000;
	s28 =	sadd.s32 s2, s5  }
0xb5: {  	[tilespmem:s15], [sflag:$0x3] =	stream.linear.gather [hbm4b:s28+s4], $0x4000, $0x38;
	[tilespmem:$0x18000] =	vst v63  }
0xb6: {  	_ =	swait.ge [sflag:s16], $0x4000  }
0xb7: {  	s6 =	sadd.s32 s29, s9;
	[sflag:s16] =	ssyncset.done $0x0  }
0xb8: {  	s6 =	sadd.s32 $0x800, s6;
	s31 =	rddreg [dreg:$0x6];
	[sflag:s16] =	ssyncadd.s32 $0xFFFFC000  }
0xb9: {  	[tilespmem:s31], [sflag:$0xA] =	stream.linear.gather [hbm4b:s6+s4], $0x4000, $0x38;
	[tilespmem:$0x18000] =	vst v63  }
0xba: {  	_ =	swait.ge [sflag:s17], $0x4000  }
0xbb: {  	s7 =	rddreg [dreg:$0x4];
	[sflag:s17] =	ssyncset.done $0x0  }
0xbc: {  	s6 =	simm.s32 @!p1 $0x8;
	[sflag:s17] =	ssyncadd.s32 $0xFFFFC000;
	s0 =	sadd.s32 s29, s7  }
0xbd: {  	[hbm4b:s0+s4] =	stream.linear.scatter [tilespmem:s13], [sflag:$0x5], $0x4000, $0x38;
	[tilespmem:$0x18000] =	vst v63  }
0xbe: {  	_ =	swait.ge @!p1 [sflag:s6], $0x4000  }
0xbf: {  	s8 =	sor.u32 $0x300000, s1;
	[sflag:s6] =	ssyncset.done @!p1 $0x0  }
0xc0: {  	s10 =	sadd.s32 s2, s8;
	[sflag:s6] =	ssyncadd.s32 @!p1 $0xFFFFC000  }
0xc1: {  	[tilespmem:s18], [sflag:$0x4] =	stream.linear.gather [hbm4b:s10+s4], $0x4000, $0x38;
	[tilespmem:$0x18000] =	vst v63  }
0xc2: {  	_ =	swait.ge [sflag:s19], $0x4000  }
0xc3: {  	s1 =	sor.u32 $0x100000, s1;
	[sflag:s19] =	ssyncset.done $0x0  }
0xc4: {  	s1 =	sadd.s32 s3, s1;
	[sflag:s19] =	ssyncadd.s32 $0xFFFFC000  }
0xc5: {  	[hbm4b:s1+s4] =	stream.linear.scatter [tilespmem:s14], [sflag:$0x6], $0x4000, $0x38;
	[tilespmem:$0x18000] =	vst v63  }
0xc6: {  	_ =	swait.ge [sflag:s20], $0x4000  }
0xc7: {  	s28 =	sadd.s32 s29, s12;
	[sflag:s20] =	ssyncset.done $0x0  }
0xc8: {  	s31 =	sadd.s32 $0x800, s28;
	[sflag:s20] =	ssyncadd.s32 $0xFFFFC000  }
0xc9: {  	[tilespmem:s13], [sflag:$0x1] =	stream.linear.gather [hbm4b:s31+s4], $0x4000, $0x38;
	[tilespmem:$0x18000] =	vst v63  }
0xca: {  	_ =	swait.ge [sflag:s21], $0x4000  }
0xcb: {  	[sflag:s21] =	ssyncset.done $0x0  }
0xcc: {  	s5 =	sadd.s32 s3, s5;
	[sflag:s21] =	ssyncadd.s32 $0xFFFFC000  }
0xcd: {  	[hbm4b:s5+s4] =	stream.linear.scatter [tilespmem:s15], [sflag:$0x7], $0x4000, $0x38;
	[tilespmem:$0x18000] =	vst v63  }
0xce: {  	_ =	swait.ge [sflag:s22], $0x4000  }
0xcf: {  	[sflag:s22] =	ssyncset.done $0x0  }
0xd0: {  	s1 =	sadd.s32 $0x100800, s28;
	[sflag:s22] =	ssyncadd.s32 $0xFFFFC000  }
0xd1: {  	[tilespmem:s14], [sflag:$0x2] =	stream.linear.gather [hbm4b:s1+s4], $0x4000, $0x38;
	[tilespmem:$0x18000] =	vst v63  }
0xd2: {  	_ =	swait.ge [sflag:s23], $0x4000  }
0xd3: {  	[sflag:s23] =	ssyncset.done $0x0  }
0xd4: {  	s0 =	sadd.s32 s3, s8;
	[sflag:s23] =	ssyncadd.s32 $0xFFFFC000  }
0xd5: {  	[hbm4b:s0+s4] =	stream.linear.scatter [tilespmem:s18], [sflag:$0x8], $0x4000, $0x38;
	[tilespmem:$0x18000] =	vst v63  }
0xd6: {  	s1 =	sadd.s32 s29, s11;
	_ =	swait.ge [sflag:s24], $0x4000  }
0xd7: {  	s31 =	sor.u32 $0x200000, s1;
	[sflag:s24] =	ssyncset.done $0x0  }
0xd8: {  	s8 =	sadd.s32 s2, s31;
	[sflag:s24] =	ssyncadd.s32 $0xFFFFC000  }
0xd9: {  	[tilespmem:s15], [sflag:$0x3] =	stream.linear.gather [hbm4b:s8+s4], $0x4000, $0x38;
	[tilespmem:$0x18000] =	vst v63  }
0xda: {  	p0 =	sgt.u32 s30, $0xE;
	_ =	swait.ge [sflag:s25], $0x4000  }
0xdb: {  	s5 =	sadd.s32 @!p0 s29, s9;
	[sflag:s25] =	ssyncset.done $0x0  }
0xdc: {  	s6 =	simm.s32 @!p0 $0x0;
	s5 =	sadd.s32 @!p0 $0x1000, s5;
	[sflag:s25] =	ssyncadd.s32 $0xFFFFC000  }
0xdd: {  	[tilespmem:s6], [sflag:$0x9] =	stream.linear.gather @!p0 [hbm4b:s5+s6], $0x4000, $0x38;
	[tilespmem:$0x18000] =	vst v63  }
0xde: {  	_ =	swait.ge [sflag:s17], $0x4000  }
0xdf: {  	s10 =	rddreg [dreg:$0x5];
	[sflag:s17] =	ssyncset.done $0x0  }
0xe0: {  	[sflag:s17] =	ssyncadd.s32 $0xFFFFC000;
	s5 =	sadd.s32 s29, s10  }
0xe1: {  	[hbm4b:s5+s4] =	stream.linear.scatter [tilespmem:s13], [sflag:$0x5], $0x4000, $0x38;
	[tilespmem:$0x18000] =	vst v63  }
0xe2: {  	_ =	swait.ge [sflag:s26], $0x4000  }
0xe3: {  	s28 =	sor.u32 $0x300000, s1;
	[sflag:s26] =	ssyncset.done $0x0  }
0xe4: {  	s7 =	sadd.s32 s2, s28;
	[sflag:s26] =	ssyncadd.s32 $0xFFFFC000  }
0xe5: {  	[tilespmem:s18], [sflag:$0x4] =	stream.linear.gather [hbm4b:s7+s4], $0x4000, $0x38;
	[tilespmem:$0x18000] =	vst v63  }
0xe6: {  	_ =	swait.ge [sflag:s19], $0x4000  }
0xe7: {  	s0 =	sor.u32 $0x100000, s1;
	[sflag:s19] =	ssyncset.done $0x0  }
0xe8: {  	s0 =	sadd.s32 s3, s0;
	[sflag:s19] =	ssyncadd.s32 $0xFFFFC000  }
0xe9: {  	[hbm4b:s0+s4] =	stream.linear.scatter [tilespmem:s14], [sflag:$0x6], $0x4000, $0x38;
	[tilespmem:$0x18000] =	vst v63  }
0xea: {  	_ =	swait.ge [sflag:s20], $0x4000  }
0xeb: {  	s0 =	sadd.s32 @!p0 s29, s12;
	[sflag:s20] =	ssyncset.done $0x0  }
0xec: {  	s8 =	simm.s32 @!p0 $0x8000;
	s7 =	sadd.s32 @!p0 $0x1000, s0;
	[sflag:s20] =	ssyncadd.s32 $0xFFFFC000  }
0xed: {  	[tilespmem:s8], [sflag:$0x1] =	stream.linear.gather @!p0 [hbm4b:s7+s6], $0x4000, $0x38;
	[tilespmem:$0x18000] =	vst v63  }
0xee: {  	_ =	swait.ge [sflag:s21], $0x4000  }
0xef: {  	[sflag:s21] =	ssyncset.done $0x0  }
0xf0: {  	s1 =	sadd.s32 s3, s31;
	[sflag:s21] =	ssyncadd.s32 $0xFFFFC000  }
0xf1: {  	[hbm4b:s1+s4] =	stream.linear.scatter [tilespmem:s15], [sflag:$0x7], $0x4000, $0x38;
	[tilespmem:$0x18000] =	vst v63  }
0xf2: {  	_ =	swait.ge [sflag:s22], $0x4000  }
0xf3: {  	[sflag:s22] =	ssyncset.done $0x0  }
0xf4: {  	s0 =	sadd.s32 @!p0 $0x101000, s0;
	s1 =	simm.s32 @!p0 $0xC000;
	[sflag:s22] =	ssyncadd.s32 $0xFFFFC000  }
0xf5: {  	[tilespmem:s1], [sflag:$0x2] =	stream.linear.gather @!p0 [hbm4b:s0+s6], $0x4000, $0x38;
	[tilespmem:$0x18000] =	vst v63  }
0xf6: {  	_ =	swait.ge [sflag:s23], $0x4000  }
0xf7: {  	[sflag:s23] =	ssyncset.done $0x0  }
0xf8: {  	s29 =	sadd.s32 s3, s28;
	[sflag:s23] =	ssyncadd.s32 $0xFFFFC000  }
0xf9: {  	[hbm4b:s29+s4] =	stream.linear.scatter [tilespmem:s18], [sflag:$0x8], $0x4000, $0x38;
	[tilespmem:$0x18000] =	vst v63  }
0xfa: {  	_ =	swait.ge [sflag:s24], $0x4000  }
0xfb: {  	[sflag:s24] =	ssyncset.done $0x0  }
0xfc: {  	[sflag:s24] =	ssyncadd.s32 $0xFFFFC000  }
0xfd: {  	_ =	swait.ge [sflag:s26], $0x4000  }
0xfe: {  	s30 =	rddreg [dreg:$0xc]  }
0xff: {  	s31 =	rddreg [dreg:$0xb];
	s1 =	sadd.s32 $0x1, s30  }
0x100: {  	p0 =	sne.s32 s1, s31  }
.Ltmp1:
0x101: {  	_ = 	snop;
	(pc) =	sbr.rel @p0 .LBB2_1-.Ltmp1, $3  }
0x102: {  	_ =	sdelay $0x1  }
0x103: {  	[sflag:s26] =	ssyncset.done $0x0  }
0x104: {  	[sflag:s26] =	ssyncadd.s32 $0xFFFFC000  }
0x105: {  	_ =	sfence.sel $0x180000  }
0x106: {  	[bflag:$0x0] =	sbarrier.arrive $0xFFFF  }
0x107: {  	_ =	strace $0x90000047  }
0x108: {  	s0 =	stileid.u32;
	[bflag:$0x2] =	sbarrier.arrive $0xFFFF  }
0x109: {  	p0 =	sne.s32 s0, $0x0;
	s0 =	rddreg [dreg:$0x3]  }
0x10a: {  	s0 =	sadd.s32 @!p0 $0x100000, s0  }
0x10b: {  	[sflag:s0] =	ssyncadd.tile.s32 @!p0 $0x1;
	_ =	shalt  }
.Lfunc_end2:
_tile_overlayer_lowered:
.L_overlay_start_2:
0x10c: {  	(tag) =	ssettag $0x2  }
0x10d: {  	s0 =	rddreg [dreg:$0x0];
	s2 =	stileid.u32  }
0x10e: {  	s1 =	rddreg [dreg:$0x1];
	p0 =	sne.s32 s2, $0x0  }
0x10f: {  	s3 =	rddreg [dreg:$0x2];
	[bflag:$0x3] =	sbarrier.arrive $0xFFFF;
	s2 =	simm.s32 @!p0 $0x1C0B  }
0x110: {  	[timem:s3], [sflag:s2] =	dma.local @!p0 [hbm:s0], s1  }
0x111: {  	s0 =	simm.s32 @!p0 $0xB  }
0x112: {  	_ =	swait.ge @!p0 [sflag:s0], s1  }
0x113: {  	s1 =	ssub.s32 @!p0 $0x0, s1;
	[sflag:s0] =	ssyncset.done @!p0 $0x0  }
0x114: {  	[sflag:s0] =	ssyncadd.s32 @!p0 s1  }
0x115: {  	[bflag:$0x3] =	sbarrier.arrive $0xFFFF  }
0x116: {  	_ =	shalt  }

</sc_bundles>
